<compile_context>
chip_gen: v7x
topology: tpu7x:2x2x1
jax: 0.10.2.dev20260603
libtpu: 0.0.44.dev20260713+nightly
codegen_flags: <defaults>
</compile_context>

<pallas_src>
import functools

import jax
import jax.numpy as jnp
from jax import lax
from jax.experimental import pallas as pl
from jax.experimental.pallas import tpu as pltpu
from jax.experimental.pallas import tpu_sc as plsc

_H = 768
_E = 16
_TOPK = 2
_CAP = 256
_T = 2048
_TB = 512
_G = _T // _TB
_EC = _E * _CAP

_NW = 32
_TPW = _T // _NW
_ROWS = 8
_NCH = _TPW // _ROWS
_EPW = _TPW * _TOPK


def _routing_body(x_ref, w1_ref, b1_ref, w2_ref, b2_ref, ew_ref,
                  q_ref, wgt_ref, probs_ref, aux_ref, acc_ref):
    i = pl.program_id(0)

    @pl.when(i == 0)
    def _init():
        acc_ref[...] = jnp.zeros_like(acc_ref)

    h = jnp.dot(x_ref[...], w1_ref[...], preferred_element_type=jnp.float32)
    h = jnp.maximum(h + b1_ref[...], 0.0)
    logits = jnp.dot(h, w2_ref[...], preferred_element_type=jnp.float32)
    logits = (logits + b2_ref[...]) * ew_ref[...]

    m = jnp.max(logits, axis=1, keepdims=True)
    ex = jnp.exp(logits - m)
    p = ex / jnp.sum(ex, axis=1, keepdims=True)
    probs_ref[...] = p

    iota_e = lax.broadcasted_iota(jnp.int32, (_TB, _E), 1)
    p0 = jnp.max(p, axis=1, keepdims=True)
    i0 = jnp.min(jnp.where(p == p0, iota_e, _E), axis=1, keepdims=True)
    oh0 = iota_e == i0
    pm = jnp.where(oh0, -1.0, p)
    p1 = jnp.max(pm, axis=1, keepdims=True)
    i1 = jnp.min(jnp.where(pm == p1, iota_e, _E), axis=1, keepdims=True)
    oh1 = iota_e == i1
    s = p0 + p1 + 1e-8
    w0 = p0 / s
    w1 = p1 / s

    oh0f = oh0.astype(jnp.float32)
    oh1f = oh1.astype(jnp.float32)
    s2 = oh0f + oh1f
    row = lax.broadcasted_iota(jnp.int32, (_TB, _TB), 0)
    col = lax.broadcasted_iota(jnp.int32, (_TB, _TB), 1)
    stril = (row > col).astype(jnp.float32)
    c_in = jnp.dot(stril, s2, preferred_element_type=jnp.float32)
    carry = acc_ref[0:1, 0:_E]
    c_tot = c_in + carry
    pos0 = jnp.sum(c_tot * oh0f, axis=1, keepdims=True).astype(jnp.int32)
    pos1 = jnp.sum(c_tot * oh1f, axis=1, keepdims=True).astype(jnp.int32)
    acc_ref[0:1, 0:_E] = carry + jnp.sum(s2, axis=0, keepdims=True)
    acc_ref[1:2, 0:_E] += jnp.sum(p, axis=0, keepdims=True)

    q0 = jnp.where(pos0 < _CAP, i0 * _CAP + pos0, -1)
    q1 = jnp.where(pos1 < _CAP, i1 * _CAP + pos1, -1)
    q_ref[...] = jnp.concatenate([q0, q1], axis=1)
    wgt_ref[...] = jnp.concatenate([w0, w1], axis=1)

    cnt = acc_ref[0:1, 0:_E]
    psum = acc_ref[1:2, 0:_E]
    aux_ref[...] = (0.1 * _E) * jnp.sum(
        (psum / _T) * (cnt / (_T * _TOPK)), axis=1, keepdims=True)


def _tc_routing(x, w1t, b1r, w2t, b2r, ewr):
    return pl.pallas_call(
        _routing_body,
        grid=(_G,),
        in_specs=[
            pl.BlockSpec((_TB, _H), lambda i: (i, 0)),
            pl.BlockSpec((_H, _H), lambda i: (0, 0)),
            pl.BlockSpec((1, _H), lambda i: (0, 0)),
            pl.BlockSpec((_H, _E), lambda i: (0, 0)),
            pl.BlockSpec((1, _E), lambda i: (0, 0)),
            pl.BlockSpec((1, _E), lambda i: (0, 0)),
        ],
        out_specs=[
            pl.BlockSpec((_TB, 2), lambda i: (i, 0)),
            pl.BlockSpec((_TB, 2), lambda i: (i, 0)),
            pl.BlockSpec((_TB, _E), lambda i: (i, 0)),
            pl.BlockSpec((1, 1), lambda i: (0, 0)),
        ],
        out_shape=[
            jax.ShapeDtypeStruct((_T, 2), jnp.int32),
            jax.ShapeDtypeStruct((_T, 2), jnp.float32),
            jax.ShapeDtypeStruct((_T, _E), jnp.float32),
            jax.ShapeDtypeStruct((1, 1), jnp.float32),
        ],
        scratch_shapes=[pltpu.VMEM((8, 128), jnp.float32)],
    )(x, w1t, b1r, w2t, b2r, ewr)


_CHW = _ROWS * _EC


def _sc_fill_body(q_hbm, w_hbm, disp_hbm, comb_hbm, qv, wv, dbuf, cbuf, sem):
    wid = lax.axis_index("s") * 2 + lax.axis_index("c")
    ebase = wid * _EPW

    pltpu.sync_copy(q_hbm.at[pl.ds(ebase, _EPW)], qv)
    pltpu.sync_copy(w_hbm.at[pl.ds(ebase, _EPW)], wv)

    def _zero(j, _):
        e = j // 16
        col = (j % 16) * 16
        for r in range(_ROWS):
            dbuf[r, e, pl.ds(col, 16)] = jnp.zeros((16,), jnp.float32)
            cbuf[r, e, pl.ds(col, 16)] = jnp.zeros((16,), jnp.float32)
        return 0

    lax.fori_loop(0, _E * 16, _zero, 0)

    lanes = lax.iota(jnp.int32, 16)
    tok_pat = lax.shift_right_logical(lanes, 1)
    ones = jnp.full((16,), 1.0, jnp.float32)
    zeros = jnp.zeros((16,), jnp.float32)

    def _chunk(c, _):
        q = qv[pl.ds(c * 16, 16)]
        w = wv[pl.ds(c * 16, 16)]
        msk = q >= 0
        qs = jnp.where(msk, q, 0)
        ei = lax.shift_right_logical(qs, 8)
        ci = qs & 255
        plsc.store_scatter(dbuf, [tok_pat, ei, ci], ones, mask=msk)
        plsc.store_scatter(cbuf, [tok_pat, ei, ci], w, mask=msk)
        rowb = wid * _TPW + c * _ROWS
        cp_d = pltpu.async_copy(dbuf, disp_hbm.at[pl.ds(rowb, _ROWS)], sem)
        cp_c = pltpu.async_copy(cbuf, comb_hbm.at[pl.ds(rowb, _ROWS)], sem)
        cp_d.wait()
        cp_c.wait()
        plsc.store_scatter(dbuf, [tok_pat, ei, ci], zeros, mask=msk)
        plsc.store_scatter(cbuf, [tok_pat, ei, ci], zeros, mask=msk)
        return 0

    lax.fori_loop(0, _NCH, _chunk, 0)


_sc_fill = functools.partial(
    pl.kernel,
    out_type=[
        jax.ShapeDtypeStruct((_T, _E, _CAP), jnp.float32),
        jax.ShapeDtypeStruct((_T, _E, _CAP), jnp.float32),
    ],
    mesh=plsc.VectorSubcoreMesh(core_axis_name="c", subcore_axis_name="s"),
    scratch_types=[
        pltpu.VMEM((_EPW,), jnp.int32),
        pltpu.VMEM((_EPW,), jnp.float32),
        pltpu.VMEM((_ROWS, _E, _CAP), jnp.float32),
        pltpu.VMEM((_ROWS, _E, _CAP), jnp.float32),
        pltpu.SemaphoreType.DMA,
    ],
    compiler_params=pltpu.CompilerParams(
        needs_layout_passes=False, use_tc_tiling_on_sc=True),
)(_sc_fill_body)


def kernel(hidden_states, W1, b1, W2, b2, expert_weights):
    Bv, Sv, Hv = hidden_states.shape
    x = hidden_states.reshape(Bv * Sv, Hv)
    q2, wgt2, probs, aux = _tc_routing(
        x, W1.T, b1.reshape(1, Hv), W2.T, b2.reshape(1, _E),
        expert_weights.reshape(1, _E))
    q = q2.reshape(_T * _TOPK)
    wgt = wgt2.reshape(_T * _TOPK)
    disp, comb = _sc_fill(q, wgt)
    dispatch = disp.reshape(Bv, Sv, _E, _CAP)
    combine = comb.reshape(Bv, Sv, _E, _CAP)
    router_probs = probs.reshape(Bv, Sv, _E)
    return dispatch, combine, router_probs, aux.reshape(())

# --- scband reference (transcript-rebuilt; emitter-appended) ---
"""Pipeline reference for scband-eplbrouter-22170621182526 (READ-ONLY COPY).

The authoritative reference and input builder live on the scoring server;
editing this copy changes nothing except your own understanding.
"""

import jax, jax.numpy as jnp
import numpy as np

H = 768
E = 16
TOPK = 2
CF = 1.0
TEMP = 1.0
BAL = 0.1
B, S = 1, 2048


def setup_inputs(seed: int = 0) -> dict:
    key = jax.random.key(seed)
    ks = jax.random.split(key, 5)
    hidden_states = jax.random.normal(ks[0], (B, S, H), dtype=jnp.float32)
    # router: Linear(H,H) -> ReLU -> Dropout(0) -> Linear(H,E), xavier_normal init, zero bias
    std1 = float(np.sqrt(2.0 / (H + H)))
    std2 = float(np.sqrt(2.0 / (H + E)))
    W1 = jax.random.normal(ks[1], (H, H), dtype=jnp.float32) * std1
    b1 = jnp.zeros((H,), dtype=jnp.float32)
    W2 = jax.random.normal(ks[2], (E, H), dtype=jnp.float32) * std2
    b2 = jnp.zeros((E,), dtype=jnp.float32)
    expert_weights = jnp.ones((E,), dtype=jnp.float32)  # buffer, starts at ones
    return {"hidden_states": hidden_states, "W1": W1, "b1": b1, "W2": W2, "b2": b2, "expert_weights": expert_weights}


def reference(hidden_states, W1, b1, W2, b2, expert_weights):
    Bv, Sv, Hv = hidden_states.shape
    h = jax.nn.relu(jnp.einsum('bsh,oh->bso', hidden_states, W1) + b1)
    router_logits = jnp.einsum('bsh,eh->bse', h, W2) + b2
    router_logits = router_logits * expert_weights[None, None, :]
    router_logits = router_logits / TEMP
    router_probs = jax.nn.softmax(router_logits, axis=-1)
    top_k_probs, top_k_indices = jax.lax.top_k(router_probs, TOPK)
    top_k_probs = top_k_probs / (jnp.sum(top_k_probs, axis=-1, keepdims=True) + 1e-8)
    T = Bv * Sv
    capacity = int(T * CF * TOPK / E)
    # flatten in (b, s, k) order to match the torch first-come-first-serve loop
    flat_idx = top_k_indices.reshape(T * TOPK)
    flat_p = top_k_probs.reshape(T * TOPK)
    oh = jax.nn.one_hot(flat_idx, E, dtype=jnp.int32)
    # inclusive cumsum at each entry's expert, minus 1 -> position within expert buffer
    pos = jnp.sum(jnp.cumsum(oh, axis=0) * oh, axis=-1) - 1
    valid = pos < capacity
    vmask = valid.astype(jnp.float32)
    safe_pos = jnp.where(valid, pos, 0)
    tok = jnp.arange(T * TOPK) // TOPK
    dispatch = jnp.zeros((T, E, capacity), dtype=jnp.float32).at[tok, flat_idx, safe_pos].add(vmask)
    combine = jnp.zeros((T, E, capacity), dtype=jnp.float32).at[tok, flat_idx, safe_pos].add(flat_p * vmask)
    dispatch = dispatch.reshape(Bv, Sv, E, capacity)
    combine = combine.reshape(Bv, Sv, E, capacity)
    # balance loss (base formulation scaled by balance_coefficient)
    router_prob_per_expert = jnp.mean(router_probs, axis=(0, 1))
    expert_mask_oh = jax.nn.one_hot(top_k_indices, E, dtype=jnp.float32)
    expert_usage_rate = jnp.mean(expert_mask_oh, axis=(0, 1, 2))
    aux_loss = BAL * jnp.sum(router_prob_per_expert * expert_usage_rate) * E
    return dispatch, combine, router_probs, aux_loss

if __name__ == "__main__":
    import jax
    _d = setup_inputs()
    print(jax.jit(kernel)(*tuple(_d.values())))

</pallas_src>

<mosaic_0001>
#map = affine_map<(d0, d1) -> (0)>
#map1 = affine_map<(d0, d1) -> (0, 0, 0)>
module attributes {stable_mosaic.version = 14 : i64} {
  func.func @_sc_fill_body(%arg0: i32, %arg1: i32, %arg2: memref<4096xi32, #tpu.memory_space<hbm>>, %arg3: memref<4096xf32, #tpu.memory_space<hbm>>, %arg4: memref<2048x16x256xf32, #tpu.memory_space<hbm>>, %arg5: memref<2048x16x256xf32, #tpu.memory_space<hbm>>, %arg6: memref<128xi32, #tpu.memory_space<vmem>>, %arg7: memref<128xf32, #tpu.memory_space<vmem>>, %arg8: memref<8x16x256xf32, #tpu.memory_space<vmem>>, %arg9: memref<8x16x256xf32, #tpu.memory_space<vmem>>, %arg10: memref<!tpu.dma_semaphore, #tpu.memory_space<semaphore_mem>>) attributes {dimension_semantics = [#tpu.dimension_semantics<core_parallel>, #tpu.dimension_semantics<subcore_parallel>], iteration_bounds = array<i64: 2, 16>, scalar_prefetch = 0 : i64, scratch_operands = 5 : i64, tpu.core_type = #tpu.core_type<sc_vector_subcore>, window_params = [{transform_indices = #map}, {transform_indices = #map}, {transform_indices = #map1}, {transform_indices = #map1}]} {
    %mul3A = arith.constant 2 : i32
    %mul3A_0 = arith.muli %arg1, %mul3A : i32
    %add3A = arith.addi %mul3A_0, %arg0 : i32
    %mul3A_1 = arith.constant 128 : i32
    %mul3A_2 = arith.muli %add3A, %mul3A_1 : i32
    "tpu.region"() ({
      %run_scoped3A = tpu.sem_alloc : memref<!tpu.dma_semaphore, #tpu.memory_space<semaphore_mem>>
      %dma_start3A = tpu.memref_slice %arg2[%mul3A_2] : memref<4096xi32, #tpu.memory_space<hbm>> -> memref<128xi32, #tpu.memory_space<hbm>>
      %dma_start3A_21 = tpu.memref_slice %arg2[%mul3A_2] : memref<4096xi32, #tpu.memory_space<hbm>> -> memref<128xi32, #tpu.memory_space<hbm>>
      tpu.enqueue_dma source(%dma_start3A_21 : memref<128xi32, #tpu.memory_space<hbm>>) target(%arg6 : memref<128xi32, #tpu.memory_space<vmem>>) target_semaphore(%run_scoped3A : memref<!tpu.dma_semaphore, #tpu.memory_space<semaphore_mem>>)
      %dma_wait3A = tpu.memref_slice %arg2[%mul3A_2] : memref<4096xi32, #tpu.memory_space<hbm>> -> memref<128xi32, #tpu.memory_space<hbm>>
      %dma_wait3A_22 = tpu.memref_slice %arg2[%mul3A_2] : memref<4096xi32, #tpu.memory_space<hbm>> -> memref<128xi32, #tpu.memory_space<hbm>>
      tpu.wait_dma2 semaphore(%run_scoped3A : memref<!tpu.dma_semaphore, #tpu.memory_space<semaphore_mem>>) src(%dma_wait3A_22 : memref<128xi32, #tpu.memory_space<hbm>>) dst(%arg6 : memref<128xi32, #tpu.memory_space<vmem>>)
      tpu.yield
    }) : () -> ()
    "tpu.region"() ({
      %run_scoped3A = tpu.sem_alloc : memref<!tpu.dma_semaphore, #tpu.memory_space<semaphore_mem>>
      %dma_start3A = tpu.memref_slice %arg3[%mul3A_2] : memref<4096xf32, #tpu.memory_space<hbm>> -> memref<128xf32, #tpu.memory_space<hbm>>
      %dma_start3A_21 = tpu.memref_slice %arg3[%mul3A_2] : memref<4096xf32, #tpu.memory_space<hbm>> -> memref<128xf32, #tpu.memory_space<hbm>>
      tpu.enqueue_dma source(%dma_start3A_21 : memref<128xf32, #tpu.memory_space<hbm>>) target(%arg7 : memref<128xf32, #tpu.memory_space<vmem>>) target_semaphore(%run_scoped3A : memref<!tpu.dma_semaphore, #tpu.memory_space<semaphore_mem>>)
      %dma_wait3A = tpu.memref_slice %arg3[%mul3A_2] : memref<4096xf32, #tpu.memory_space<hbm>> -> memref<128xf32, #tpu.memory_space<hbm>>
      %dma_wait3A_22 = tpu.memref_slice %arg3[%mul3A_2] : memref<4096xf32, #tpu.memory_space<hbm>> -> memref<128xf32, #tpu.memory_space<hbm>>
      tpu.wait_dma2 semaphore(%run_scoped3A : memref<!tpu.dma_semaphore, #tpu.memory_space<semaphore_mem>>) src(%dma_wait3A_22 : memref<128xf32, #tpu.memory_space<hbm>>) dst(%arg7 : memref<128xf32, #tpu.memory_space<vmem>>)
      tpu.yield
    }) : () -> ()
    %scan3A = arith.constant 0 : i32
    %scan3A_3 = arith.constant 0 : i32
    %scan3A_4 = arith.constant 256 : i32
    %scan3A_5 = arith.addi %scan3A_3, %scan3A_4 : i32
    %scan3A_6 = arith.constant 1 : i32
    %scan3A_7 = scf.for %scan3A_21 = %scan3A_3 to %scan3A_5 step %scan3A_6 iter_args(%scan3A_22 = %scan3A) -> (i32)  : i32 {
      %jit3A = arith.constant 16 : i32
      %div3A = arith.divsi %scan3A_21, %jit3A : i32
      %sign3A = arith.constant 0 : i32
      %sign3A_23 = arith.cmpi sgt, %scan3A_21, %sign3A : i32
      %sign3A_24 = arith.extui %sign3A_23 : i1 to i32
      %sign3A_25 = arith.constant 0 : i32
      %sign3A_26 = arith.cmpi slt, %scan3A_21, %sign3A_25 : i32
      %sign3A_27 = arith.extui %sign3A_26 : i1 to i32
      %sign3A_28 = arith.subi %sign3A_24, %sign3A_27 : i32
      %sign3A_29 = arith.constant 0 : i32
      %sign3A_30 = arith.cmpi sgt, %jit3A, %sign3A_29 : i32
      %sign3A_31 = arith.extui %sign3A_30 : i1 to i32
      %sign3A_32 = arith.constant 0 : i32
      %sign3A_33 = arith.cmpi slt, %jit3A, %sign3A_32 : i32
      %sign3A_34 = arith.extui %sign3A_33 : i1 to i32
      %sign3A_35 = arith.subi %sign3A_31, %sign3A_34 : i32
      %ne3A = arith.cmpi ne, %sign3A_28, %sign3A_35 : i32
      %rem3A = arith.remsi %scan3A_21, %jit3A : i32
      %ne3A_36 = arith.constant 0 : i32
      %ne3A_37 = arith.cmpi ne, %rem3A, %ne3A_36 : i32
      %and3A = arith.andi %ne3A, %ne3A_37 : i1
      %sub3A = arith.constant 1 : i32
      %sub3A_38 = arith.subi %div3A, %sub3A : i32
      %select_n3A = arith.select %and3A, %sub3A_38, %div3A : i32
      %jit3A_39 = arith.constant 16 : i32
      %eq3A = arith.constant 0 : i32
      %eq3A_40 = arith.cmpi eq, %jit3A_39, %eq3A : i32
      %jit3A_41 = arith.constant 1 : i32
      %select_n3A_42 = arith.select %eq3A_40, %jit3A_41, %jit3A_39 : i32
      %rem3A_43 = arith.remsi %scan3A_21, %select_n3A_42 : i32
      %ne3A_44 = arith.constant 0 : i32
      %ne3A_45 = arith.cmpi ne, %rem3A_43, %ne3A_44 : i32
      %lt3A = arith.constant 0 : i32
      %lt3A_46 = arith.cmpi slt, %rem3A_43, %lt3A : i32
      %lt3A_47 = arith.constant 0 : i32
      %lt3A_48 = arith.cmpi slt, %select_n3A_42, %lt3A_47 : i32
      %ne3A_49 = arith.xori %lt3A_46, %lt3A_48 : i1
      %and3A_50 = arith.andi %ne3A_49, %ne3A_45 : i1
      %add3A_51 = arith.addi %rem3A_43, %select_n3A_42 : i32
      %select_n3A_52 = arith.select %and3A_50, %add3A_51, %rem3A_43 : i32
      %mul3A_53 = arith.constant 16 : i32
      %mul3A_54 = arith.muli %select_n3A_52, %mul3A_53 : i32
      %broadcast_in_dim3A_55 = arith.constant 0.000000e+00 : f32
      %broadcast_in_dim3A_56 = vector.broadcast %broadcast_in_dim3A_55 : f32 to vector<16xf32>
      %swap3A = arith.constant 0 : i32
      %swap3A_57 = arith.index_cast %swap3A : i32 to index
      %swap3A_58 = arith.index_cast %select_n3A : i32 to index
      %swap3A_59 = arith.index_cast %mul3A_54 : i32 to index
      %swap3A_60 = tpu.vector_load %arg8[%swap3A_57, %swap3A_58, %swap3A_59] {strides = array<i32>} : memref<8x16x256xf32, #tpu.memory_space<vmem>>, vector<16xf32>,
      tpu.vector_store %arg8[%swap3A_57, %swap3A_58, %swap3A_59], %broadcast_in_dim3A_56 {strides = array<i32>} : memref<8x16x256xf32, #tpu.memory_space<vmem>>, vector<16xf32>,
      %broadcast_in_dim3A_61 = arith.constant 0.000000e+00 : f32
      %broadcast_in_dim3A_62 = vector.broadcast %broadcast_in_dim3A_61 : f32 to vector<16xf32>
      %swap3A_63 = arith.constant 0 : i32
      %swap3A_64 = arith.index_cast %swap3A_63 : i32 to index
      %swap3A_65 = arith.index_cast %select_n3A : i32 to index
      %swap3A_66 = arith.index_cast %mul3A_54 : i32 to index
      %swap3A_67 = tpu.vector_load %arg9[%swap3A_64, %swap3A_65, %swap3A_66] {strides = array<i32>} : memref<8x16x256xf32, #tpu.memory_space<vmem>>, vector<16xf32>,
      tpu.vector_store %arg9[%swap3A_64, %swap3A_65, %swap3A_66], %broadcast_in_dim3A_62 {strides = array<i32>} : memref<8x16x256xf32, #tpu.memory_space<vmem>>, vector<16xf32>,
      %broadcast_in_dim3A_68 = arith.constant 0.000000e+00 : f32
      %broadcast_in_dim3A_69 = vector.broadcast %broadcast_in_dim3A_68 : f32 to vector<16xf32>
      %swap3A_70 = arith.constant 1 : i32
      %swap3A_71 = arith.index_cast %swap3A_70 : i32 to index
      %swap3A_72 = arith.index_cast %select_n3A : i32 to index
      %swap3A_73 = arith.index_cast %mul3A_54 : i32 to index
      %swap3A_74 = tpu.vector_load %arg8[%swap3A_71, %swap3A_72, %swap3A_73] {strides = array<i32>} : memref<8x16x256xf32, #tpu.memory_space<vmem>>, vector<16xf32>,
      tpu.vector_store %arg8[%swap3A_71, %swap3A_72, %swap3A_73], %broadcast_in_dim3A_69 {strides = array<i32>} : memref<8x16x256xf32, #tpu.memory_space<vmem>>, vector<16xf32>,
      %broadcast_in_dim3A_75 = arith.constant 0.000000e+00 : f32
      %broadcast_in_dim3A_76 = vector.broadcast %broadcast_in_dim3A_75 : f32 to vector<16xf32>
      %swap3A_77 = arith.constant 1 : i32
      %swap3A_78 = arith.index_cast %swap3A_77 : i32 to index
      %swap3A_79 = arith.index_cast %select_n3A : i32 to index
      %swap3A_80 = arith.index_cast %mul3A_54 : i32 to index
      %swap3A_81 = tpu.vector_load %arg9[%swap3A_78, %swap3A_79, %swap3A_80] {strides = array<i32>} : memref<8x16x256xf32, #tpu.memory_space<vmem>>, vector<16xf32>,
      tpu.vector_store %arg9[%swap3A_78, %swap3A_79, %swap3A_80], %broadcast_in_dim3A_76 {strides = array<i32>} : memref<8x16x256xf32, #tpu.memory_space<vmem>>, vector<16xf32>,
      %broadcast_in_dim3A_82 = arith.constant 0.000000e+00 : f32
      %broadcast_in_dim3A_83 = vector.broadcast %broadcast_in_dim3A_82 : f32 to vector<16xf32>
      %swap3A_84 = arith.constant 2 : i32
      %swap3A_85 = arith.index_cast %swap3A_84 : i32 to index
      %swap3A_86 = arith.index_cast %select_n3A : i32 to index
      %swap3A_87 = arith.index_cast %mul3A_54 : i32 to index
      %swap3A_88 = tpu.vector_load %arg8[%swap3A_85, %swap3A_86, %swap3A_87] {strides = array<i32>} : memref<8x16x256xf32, #tpu.memory_space<vmem>>, vector<16xf32>,
      tpu.vector_store %arg8[%swap3A_85, %swap3A_86, %swap3A_87], %broadcast_in_dim3A_83 {strides = array<i32>} : memref<8x16x256xf32, #tpu.memory_space<vmem>>, vector<16xf32>,
      %broadcast_in_dim3A_89 = arith.constant 0.000000e+00 : f32
      %broadcast_in_dim3A_90 = vector.broadcast %broadcast_in_dim3A_89 : f32 to vector<16xf32>
      %swap3A_91 = arith.constant 2 : i32
      %swap3A_92 = arith.index_cast %swap3A_91 : i32 to index
      %swap3A_93 = arith.index_cast %select_n3A : i32 to index
      %swap3A_94 = arith.index_cast %mul3A_54 : i32 to index
      %swap3A_95 = tpu.vector_load %arg9[%swap3A_92, %swap3A_93, %swap3A_94] {strides = array<i32>} : memref<8x16x256xf32, #tpu.memory_space<vmem>>, vector<16xf32>,
      tpu.vector_store %arg9[%swap3A_92, %swap3A_93, %swap3A_94], %broadcast_in_dim3A_90 {strides = array<i32>} : memref<8x16x256xf32, #tpu.memory_space<vmem>>, vector<16xf32>,
      %broadcast_in_dim3A_96 = arith.constant 0.000000e+00 : f32
      %broadcast_in_dim3A_97 = vector.broadcast %broadcast_in_dim3A_96 : f32 to vector<16xf32>
      %swap3A_98 = arith.constant 3 : i32
      %swap3A_99 = arith.index_cast %swap3A_98 : i32 to index
      %swap3A_100 = arith.index_cast %select_n3A : i32 to index
      %swap3A_101 = arith.index_cast %mul3A_54 : i32 to index
      %swap3A_102 = tpu.vector_load %arg8[%swap3A_99, %swap3A_100, %swap3A_101] {strides = array<i32>} : memref<8x16x256xf32, #tpu.memory_space<vmem>>, vector<16xf32>,
      tpu.vector_store %arg8[%swap3A_99, %swap3A_100, %swap3A_101], %broadcast_in_dim3A_97 {strides = array<i32>} : memref<8x16x256xf32, #tpu.memory_space<vmem>>, vector<16xf32>,
      %broadcast_in_dim3A_103 = arith.constant 0.000000e+00 : f32
      %broadcast_in_dim3A_104 = vector.broadcast %broadcast_in_dim3A_103 : f32 to vector<16xf32>
      %swap3A_105 = arith.constant 3 : i32
      %swap3A_106 = arith.index_cast %swap3A_105 : i32 to index
      %swap3A_107 = arith.index_cast %select_n3A : i32 to index
      %swap3A_108 = arith.index_cast %mul3A_54 : i32 to index
      %swap3A_109 = tpu.vector_load %arg9[%swap3A_106, %swap3A_107, %swap3A_108] {strides = array<i32>} : memref<8x16x256xf32, #tpu.memory_space<vmem>>, vector<16xf32>,
      tpu.vector_store %arg9[%swap3A_106, %swap3A_107, %swap3A_108], %broadcast_in_dim3A_104 {strides = array<i32>} : memref<8x16x256xf32, #tpu.memory_space<vmem>>, vector<16xf32>,
      %broadcast_in_dim3A_110 = arith.constant 0.000000e+00 : f32
      %broadcast_in_dim3A_111 = vector.broadcast %broadcast_in_dim3A_110 : f32 to vector<16xf32>
      %swap3A_112 = arith.constant 4 : i32
      %swap3A_113 = arith.index_cast %swap3A_112 : i32 to index
      %swap3A_114 = arith.index_cast %select_n3A : i32 to index
      %swap3A_115 = arith.index_cast %mul3A_54 : i32 to index
      %swap3A_116 = tpu.vector_load %arg8[%swap3A_113, %swap3A_114, %swap3A_115] {strides = array<i32>} : memref<8x16x256xf32, #tpu.memory_space<vmem>>, vector<16xf32>,
      tpu.vector_store %arg8[%swap3A_113, %swap3A_114, %swap3A_115], %broadcast_in_dim3A_111 {strides = array<i32>} : memref<8x16x256xf32, #tpu.memory_space<vmem>>, vector<16xf32>,
      %broadcast_in_dim3A_117 = arith.constant 0.000000e+00 : f32
      %broadcast_in_dim3A_118 = vector.broadcast %broadcast_in_dim3A_117 : f32 to vector<16xf32>
      %swap3A_119 = arith.constant 4 : i32
      %swap3A_120 = arith.index_cast %swap3A_119 : i32 to index
      %swap3A_121 = arith.index_cast %select_n3A : i32 to index
      %swap3A_122 = arith.index_cast %mul3A_54 : i32 to index
      %swap3A_123 = tpu.vector_load %arg9[%swap3A_120, %swap3A_121, %swap3A_122] {strides = array<i32>} : memref<8x16x256xf32, #tpu.memory_space<vmem>>, vector<16xf32>,
      tpu.vector_store %arg9[%swap3A_120, %swap3A_121, %swap3A_122], %broadcast_in_dim3A_118 {strides = array<i32>} : memref<8x16x256xf32, #tpu.memory_space<vmem>>, vector<16xf32>,
      %broadcast_in_dim3A_124 = arith.constant 0.000000e+00 : f32
      %broadcast_in_dim3A_125 = vector.broadcast %broadcast_in_dim3A_124 : f32 to vector<16xf32>
      %swap3A_126 = arith.constant 5 : i32
      %swap3A_127 = arith.index_cast %swap3A_126 : i32 to index
      %swap3A_128 = arith.index_cast %select_n3A : i32 to index
      %swap3A_129 = arith.index_cast %mul3A_54 : i32 to index
      %swap3A_130 = tpu.vector_load %arg8[%swap3A_127, %swap3A_128, %swap3A_129] {strides = array<i32>} : memref<8x16x256xf32, #tpu.memory_space<vmem>>, vector<16xf32>,
      tpu.vector_store %arg8[%swap3A_127, %swap3A_128, %swap3A_129], %broadcast_in_dim3A_125 {strides = array<i32>} : memref<8x16x256xf32, #tpu.memory_space<vmem>>, vector<16xf32>,
      %broadcast_in_dim3A_131 = arith.constant 0.000000e+00 : f32
      %broadcast_in_dim3A_132 = vector.broadcast %broadcast_in_dim3A_131 : f32 to vector<16xf32>
      %swap3A_133 = arith.constant 5 : i32
      %swap3A_134 = arith.index_cast %swap3A_133 : i32 to index
      %swap3A_135 = arith.index_cast %select_n3A : i32 to index
      %swap3A_136 = arith.index_cast %mul3A_54 : i32 to index
      %swap3A_137 = tpu.vector_load %arg9[%swap3A_134, %swap3A_135, %swap3A_136] {strides = array<i32>} : memref<8x16x256xf32, #tpu.memory_space<vmem>>, vector<16xf32>,
      tpu.vector_store %arg9[%swap3A_134, %swap3A_135, %swap3A_136], %broadcast_in_dim3A_132 {strides = array<i32>} : memref<8x16x256xf32, #tpu.memory_space<vmem>>, vector<16xf32>,
      %broadcast_in_dim3A_138 = arith.constant 0.000000e+00 : f32
      %broadcast_in_dim3A_139 = vector.broadcast %broadcast_in_dim3A_138 : f32 to vector<16xf32>
      %swap3A_140 = arith.constant 6 : i32
      %swap3A_141 = arith.index_cast %swap3A_140 : i32 to index
      %swap3A_142 = arith.index_cast %select_n3A : i32 to index
      %swap3A_143 = arith.index_cast %mul3A_54 : i32 to index
      %swap3A_144 = tpu.vector_load %arg8[%swap3A_141, %swap3A_142, %swap3A_143] {strides = array<i32>} : memref<8x16x256xf32, #tpu.memory_space<vmem>>, vector<16xf32>,
      tpu.vector_store %arg8[%swap3A_141, %swap3A_142, %swap3A_143], %broadcast_in_dim3A_139 {strides = array<i32>} : memref<8x16x256xf32, #tpu.memory_space<vmem>>, vector<16xf32>,
      %broadcast_in_dim3A_145 = arith.constant 0.000000e+00 : f32
      %broadcast_in_dim3A_146 = vector.broadcast %broadcast_in_dim3A_145 : f32 to vector<16xf32>
      %swap3A_147 = arith.constant 6 : i32
      %swap3A_148 = arith.index_cast %swap3A_147 : i32 to index
      %swap3A_149 = arith.index_cast %select_n3A : i32 to index
      %swap3A_150 = arith.index_cast %mul3A_54 : i32 to index
      %swap3A_151 = tpu.vector_load %arg9[%swap3A_148, %swap3A_149, %swap3A_150] {strides = array<i32>} : memref<8x16x256xf32, #tpu.memory_space<vmem>>, vector<16xf32>,
      tpu.vector_store %arg9[%swap3A_148, %swap3A_149, %swap3A_150], %broadcast_in_dim3A_146 {strides = array<i32>} : memref<8x16x256xf32, #tpu.memory_space<vmem>>, vector<16xf32>,
      %broadcast_in_dim3A_152 = arith.constant 0.000000e+00 : f32
      %broadcast_in_dim3A_153 = vector.broadcast %broadcast_in_dim3A_152 : f32 to vector<16xf32>
      %swap3A_154 = arith.constant 7 : i32
      %swap3A_155 = arith.index_cast %swap3A_154 : i32 to index
      %swap3A_156 = arith.index_cast %select_n3A : i32 to index
      %swap3A_157 = arith.index_cast %mul3A_54 : i32 to index
      %swap3A_158 = tpu.vector_load %arg8[%swap3A_155, %swap3A_156, %swap3A_157] {strides = array<i32>} : memref<8x16x256xf32, #tpu.memory_space<vmem>>, vector<16xf32>,
      tpu.vector_store %arg8[%swap3A_155, %swap3A_156, %swap3A_157], %broadcast_in_dim3A_153 {strides = array<i32>} : memref<8x16x256xf32, #tpu.memory_space<vmem>>, vector<16xf32>,
      %broadcast_in_dim3A_159 = arith.constant 0.000000e+00 : f32
      %broadcast_in_dim3A_160 = vector.broadcast %broadcast_in_dim3A_159 : f32 to vector<16xf32>
      %swap3A_161 = arith.constant 7 : i32
      %swap3A_162 = arith.index_cast %swap3A_161 : i32 to index
      %swap3A_163 = arith.index_cast %select_n3A : i32 to index
      %swap3A_164 = arith.index_cast %mul3A_54 : i32 to index
      %swap3A_165 = tpu.vector_load %arg9[%swap3A_162, %swap3A_163, %swap3A_164] {strides = array<i32>} : memref<8x16x256xf32, #tpu.memory_space<vmem>>, vector<16xf32>,
      tpu.vector_store %arg9[%swap3A_162, %swap3A_163, %swap3A_164], %broadcast_in_dim3A_160 {strides = array<i32>} : memref<8x16x256xf32, #tpu.memory_space<vmem>>, vector<16xf32>,
      %scan3A_166 = arith.constant 0 : i32
      scf.yield %scan3A_166 : i32
    }
    %scan3A_8 = arith.constant 256 : i32
    %iota3A = tpu.iota {dimensions = array<i32: 0>} : vector<16xi32>
    %shift_right_logical3A = arith.constant 1 : i32
    %shift_right_logical3A_9 = vector.broadcast %shift_right_logical3A : i32 to vector<16xi32>
    %shift_right_logical3A_10 = arith.shrui %iota3A, %shift_right_logical3A_9 : vector<16xi32>
    %broadcast_in_dim3A = arith.constant 1.000000e+00 : f32
    %broadcast_in_dim3A_11 = vector.broadcast %broadcast_in_dim3A : f32 to vector<16xf32>
    %broadcast_in_dim3A_12 = arith.constant 0.000000e+00 : f32
    %broadcast_in_dim3A_13 = vector.broadcast %broadcast_in_dim3A_12 : f32 to vector<16xf32>
    %scan3A_14 = arith.constant 0 : i32
    %scan3A_15 = arith.constant 0 : i32
    %scan3A_16 = arith.constant 8 : i32
    %scan3A_17 = arith.addi %scan3A_15, %scan3A_16 : i32
    %scan3A_18 = arith.constant 1 : i32
    %scan3A_19 = scf.for %scan3A_21 = %scan3A_15 to %scan3A_17 step %scan3A_18 iter_args(%scan3A_22 = %scan3A_14) -> (i32)  : i32 {
      %mul3A_23 = arith.constant 16 : i32
      %mul3A_24 = arith.muli %scan3A_21, %mul3A_23 : i32
      %get3A = arith.index_cast %mul3A_24 : i32 to index
      %get3A_25 = tpu.vector_load %arg6[%get3A] {strides = array<i32>} : memref<128xi32, #tpu.memory_space<vmem>>, vector<16xi32>,
      %mul3A_26 = arith.constant 16 : i32
      %mul3A_27 = arith.muli %scan3A_21, %mul3A_26 : i32
      %get3A_28 = arith.index_cast %mul3A_27 : i32 to index
      %get3A_29 = tpu.vector_load %arg7[%get3A_28] {strides = array<i32>} : memref<128xf32, #tpu.memory_space<vmem>>, vector<16xf32>,
      %ge3A = arith.constant 0 : i32
      %ge3A_30 = vector.broadcast %ge3A : i32 to vector<16xi32>
      %ge3A_31 = arith.cmpi sge, %get3A_25, %ge3A_30 : vector<16xi32>
      %jit3A = arith.constant 0 : i32
      %broadcast_in_dim3A_32 = vector.broadcast %jit3A : i32 to vector<16xi32>
      %select_n3A = arith.select %ge3A_31, %get3A_25, %broadcast_in_dim3A_32 : vector<16xi1>, vector<16xi32>
      %shift_right_logical3A_33 = arith.constant 8 : i32
      %shift_right_logical3A_34 = vector.broadcast %shift_right_logical3A_33 : i32 to vector<16xi32>
      %shift_right_logical3A_35 = arith.shrui %select_n3A, %shift_right_logical3A_34 : vector<16xi32>
      %and3A = arith.constant 255 : i32
      %and3A_36 = vector.broadcast %and3A : i32 to vector<16xi32>
      %and3A_37 = arith.andi %select_n3A, %and3A_36 : vector<16xi32>
      tpu.vector_store_idx %arg8[%shift_right_logical3A_10, %shift_right_logical3A_35, %and3A_37], %broadcast_in_dim3A_11 masked %ge3A_31 : memref<8x16x256xf32, #tpu.memory_space<vmem>>[vector<16xi32>, vector<16xi32>, vector<16xi32>], vector<16xf32>, vector<16xi1>
      tpu.vector_store_idx %arg9[%shift_right_logical3A_10, %shift_right_logical3A_35, %and3A_37], %get3A_29 masked %ge3A_31 : memref<8x16x256xf32, #tpu.memory_space<vmem>>[vector<16xi32>, vector<16xi32>, vector<16xi32>], vector<16xf32>, vector<16xi1>
      %mul3A_38 = arith.constant 64 : i32
      %mul3A_39 = arith.muli %add3A, %mul3A_38 : i32
      %mul3A_40 = arith.constant 8 : i32
      %mul3A_41 = arith.muli %scan3A_21, %mul3A_40 : i32
      %add3A_42 = arith.addi %mul3A_39, %mul3A_41 : i32
      %dma_start3A = arith.constant 0 : i32
      %dma_start3A_43 = arith.constant 0 : i32
      %dma_start3A_44 = tpu.memref_slice %arg4[%add3A_42, %dma_start3A, %dma_start3A_43] : memref<2048x16x256xf32, #tpu.memory_space<hbm>> -> memref<8x16x256xf32, #tpu.memory_space<hbm>>
      %dma_start3A_45 = arith.constant 0 : i32
      %dma_start3A_46 = arith.constant 0 : i32
      %dma_start3A_47 = tpu.memref_slice %arg4[%add3A_42, %dma_start3A_45, %dma_start3A_46] : memref<2048x16x256xf32, #tpu.memory_space<hbm>> -> memref<8x16x256xf32, #tpu.memory_space<hbm>>
      tpu.enqueue_dma source(%arg8 : memref<8x16x256xf32, #tpu.memory_space<vmem>>) target(%dma_start3A_47 : memref<8x16x256xf32, #tpu.memory_space<hbm>>) target_semaphore(%arg10 : memref<!tpu.dma_semaphore, #tpu.memory_space<semaphore_mem>>)
      %dma_start3A_48 = arith.constant 0 : i32
      %dma_start3A_49 = arith.constant 0 : i32
      %dma_start3A_50 = tpu.memref_slice %arg5[%add3A_42, %dma_start3A_48, %dma_start3A_49] : memref<2048x16x256xf32, #tpu.memory_space<hbm>> -> memref<8x16x256xf32, #tpu.memory_space<hbm>>
      %dma_start3A_51 = arith.constant 0 : i32
      %dma_start3A_52 = arith.constant 0 : i32
      %dma_start3A_53 = tpu.memref_slice %arg5[%add3A_42, %dma_start3A_51, %dma_start3A_52] : memref<2048x16x256xf32, #tpu.memory_space<hbm>> -> memref<8x16x256xf32, #tpu.memory_space<hbm>>
      tpu.enqueue_dma source(%arg9 : memref<8x16x256xf32, #tpu.memory_space<vmem>>) target(%dma_start3A_53 : memref<8x16x256xf32, #tpu.memory_space<hbm>>) target_semaphore(%arg10 : memref<!tpu.dma_semaphore, #tpu.memory_space<semaphore_mem>>)
      %dma_wait3A = arith.constant 0 : i32
      %dma_wait3A_54 = arith.constant 0 : i32
      %dma_wait3A_55 = tpu.memref_slice %arg4[%add3A_42, %dma_wait3A, %dma_wait3A_54] : memref<2048x16x256xf32, #tpu.memory_space<hbm>> -> memref<8x16x256xf32, #tpu.memory_space<hbm>>
      %dma_wait3A_56 = arith.constant 0 : i32
      %dma_wait3A_57 = arith.constant 0 : i32
      %dma_wait3A_58 = tpu.memref_slice %arg4[%add3A_42, %dma_wait3A_56, %dma_wait3A_57] : memref<2048x16x256xf32, #tpu.memory_space<hbm>> -> memref<8x16x256xf32, #tpu.memory_space<hbm>>
      tpu.wait_dma2 semaphore(%arg10 : memref<!tpu.dma_semaphore, #tpu.memory_space<semaphore_mem>>) src(%arg8 : memref<8x16x256xf32, #tpu.memory_space<vmem>>) dst(%dma_wait3A_58 : memref<8x16x256xf32, #tpu.memory_space<hbm>>)
      %dma_wait3A_59 = arith.constant 0 : i32
      %dma_wait3A_60 = arith.constant 0 : i32
      %dma_wait3A_61 = tpu.memref_slice %arg5[%add3A_42, %dma_wait3A_59, %dma_wait3A_60] : memref<2048x16x256xf32, #tpu.memory_space<hbm>> -> memref<8x16x256xf32, #tpu.memory_space<hbm>>
      %dma_wait3A_62 = arith.constant 0 : i32
      %dma_wait3A_63 = arith.constant 0 : i32
      %dma_wait3A_64 = tpu.memref_slice %arg5[%add3A_42, %dma_wait3A_62, %dma_wait3A_63] : memref<2048x16x256xf32, #tpu.memory_space<hbm>> -> memref<8x16x256xf32, #tpu.memory_space<hbm>>
      tpu.wait_dma2 semaphore(%arg10 : memref<!tpu.dma_semaphore, #tpu.memory_space<semaphore_mem>>) src(%arg9 : memref<8x16x256xf32, #tpu.memory_space<vmem>>) dst(%dma_wait3A_64 : memref<8x16x256xf32, #tpu.memory_space<hbm>>)
      tpu.vector_store_idx %arg8[%shift_right_logical3A_10, %shift_right_logical3A_35, %and3A_37], %broadcast_in_dim3A_13 masked %ge3A_31 : memref<8x16x256xf32, #tpu.memory_space<vmem>>[vector<16xi32>, vector<16xi32>, vector<16xi32>], vector<16xf32>, vector<16xi1>
      tpu.vector_store_idx %arg9[%shift_right_logical3A_10, %shift_right_logical3A_35, %and3A_37], %broadcast_in_dim3A_13 masked %ge3A_31 : memref<8x16x256xf32, #tpu.memory_space<vmem>>[vector<16xi32>, vector<16xi32>, vector<16xi32>], vector<16xf32>, vector<16xi1>
      %scan3A_65 = arith.constant 0 : i32
      scf.yield %scan3A_65 : i32
    }
    %scan3A_20 = arith.constant 8 : i32
    return
  }
}

module attributes {stable_mosaic.version = 14 : i64} {
  func.func @_routing_body(%arg0: i32, %arg1: memref<512x768xf32, #tpu.memory_space<vmem>>, %arg2: memref<768x768xf32, #tpu.memory_space<vmem>>, %arg3: memref<1x768xf32, #tpu.memory_space<vmem>>, %arg4: memref<768x16xf32, #tpu.memory_space<vmem>>, %arg5: memref<1x16xf32, #tpu.memory_space<vmem>>, %arg6: memref<1x16xf32, #tpu.memory_space<vmem>>, %arg7: memref<512x2xi32, #tpu.memory_space<vmem>>, %arg8: memref<512x2xf32, #tpu.memory_space<vmem>>, %arg9: memref<512x16xf32, #tpu.memory_space<vmem>>, %arg10: memref<1x1xf32, #tpu.memory_space<vmem>>, %arg11: memref<8x128xf32, #tpu.memory_space<vmem>>) attributes {dimension_semantics = [#tpu.dimension_semantics<arbitrary>], iteration_bounds = array<i64: 4>, scalar_prefetch = 0 : i64, scratch_operands = 1 : i64, tpu.core_type = #tpu.core_type<tc>, window_params = [{transform_indices = @transform_0, window_bounds = array<i64: 512, 768>}, {pipeline_mode = #tpu.pipeline_mode<synchronous>, transform_indices = @transform_1, window_bounds = array<i64: 768, 768>}, {pipeline_mode = #tpu.pipeline_mode<synchronous>, transform_indices = @transform_2, window_bounds = array<i64: 1, 768>}, {pipeline_mode = #tpu.pipeline_mode<synchronous>, transform_indices = @transform_3, window_bounds = array<i64: 768, 16>}, {pipeline_mode = #tpu.pipeline_mode<synchronous>, transform_indices = @transform_4, window_bounds = array<i64: 1, 16>}, {pipeline_mode = #tpu.pipeline_mode<synchronous>, transform_indices = @transform_5, window_bounds = array<i64: 1, 16>}, {transform_indices = @transform_6, window_bounds = array<i64: 512, 2>}, {transform_indices = @transform_7, window_bounds = array<i64: 512, 2>}, {transform_indices = @transform_8, window_bounds = array<i64: 512, 16>}, {pipeline_mode = #tpu.pipeline_mode<synchronous>, transform_indices = @transform_9, window_bounds = array<i64: 1, 1>}]} {
    %eq3A = arith.constant 0 : i32
    %eq3A_0 = arith.cmpi eq, %arg0, %eq3A : i32
    %convert_element_type3A = arith.extui %eq3A_0 : i1 to i32
    %cond3A = arith.constant 0 : i32
    %cond3A_1 = arith.cmpi ne, %convert_element_type3A, %cond3A : i32
    scf.if %cond3A_1 {
      %broadcast_in_dim3A_158 = arith.constant 0.000000e+00 : f32
      %broadcast_in_dim3A_159 = vector.broadcast %broadcast_in_dim3A_158 : f32 to vector<8x128xf32>
      %swap3A_160 = arith.constant 0 : index
      %swap3A_161 = arith.constant 0 : index
      %swap3A_162 = vector.load %arg11[%swap3A_160, %swap3A_161] : memref<8x128xf32, #tpu.memory_space<vmem>>, vector<8x128xf32>
      tpu.vector_store %arg11[%swap3A_160, %swap3A_161], %broadcast_in_dim3A_159 {strides = array<i32>} : memref<8x128xf32, #tpu.memory_space<vmem>>, vector<8x128xf32>,
    } else {
    }
    %get3A = arith.constant 0 : index
    %get3A_2 = arith.constant 0 : index
    %get3A_3 = vector.load %arg1[%get3A, %get3A_2] : memref<512x768xf32, #tpu.memory_space<vmem>>, vector<512x768xf32>
    %get3A_4 = arith.constant 0 : index
    %get3A_5 = arith.constant 0 : index
    %get3A_6 = vector.load %arg2[%get3A_4, %get3A_5] : memref<768x768xf32, #tpu.memory_space<vmem>>, vector<768x768xf32>
    %dot_general3A = arith.constant dense<0.000000e+00> : vector<512x768xf32>
    %dot_general3A_7 = tpu.matmul %get3A_3, %get3A_6, %dot_general3A {dimension_numbers = #tpu.dot_dimension_numbers<[1], [0], [0], [1], [0, 0, 1, 1], [], []>, transpose_lhs_hint = false} : vector<512x768xf32>, vector<768x768xf32>, vector<512x768xf32> -> vector<512x768xf32>
    %get3A_8 = arith.constant 0 : index
    %get3A_9 = arith.constant 0 : index
    %get3A_10 = vector.load %arg3[%get3A_8, %get3A_9] : memref<1x768xf32, #tpu.memory_space<vmem>>, vector<1x768xf32>
    %add3A = vector.broadcast %get3A_10 : vector<1x768xf32> to vector<512x768xf32>
    %add3A_11 = arith.addf %dot_general3A_7, %add3A : vector<512x768xf32>
    %max3A = arith.constant 0.000000e+00 : f32
    %max3A_12 = vector.broadcast %max3A : f32 to vector<512x768xf32>
    %max3A_13 = arith.maximumf %add3A_11, %max3A_12 : vector<512x768xf32>
    %get3A_14 = arith.constant 0 : index
    %get3A_15 = arith.constant 0 : index
    %get3A_16 = vector.load %arg4[%get3A_14, %get3A_15] : memref<768x16xf32, #tpu.memory_space<vmem>>, vector<768x16xf32>
    %dot_general3A_17 = arith.constant dense<0.000000e+00> : vector<512x16xf32>
    %dot_general3A_18 = tpu.matmul %max3A_13, %get3A_16, %dot_general3A_17 {dimension_numbers = #tpu.dot_dimension_numbers<[1], [0], [0], [1], [0, 0, 1, 1], [], []>, transpose_lhs_hint = false} : vector<512x768xf32>, vector<768x16xf32>, vector<512x16xf32> -> vector<512x16xf32>
    %get3A_19 = arith.constant 0 : index
    %get3A_20 = arith.constant 0 : index
    %get3A_21 = vector.load %arg5[%get3A_19, %get3A_20] : memref<1x16xf32, #tpu.memory_space<vmem>>, vector<1x16xf32>
    %add3A_22 = vector.broadcast %get3A_21 : vector<1x16xf32> to vector<512x16xf32>
    %add3A_23 = arith.addf %dot_general3A_18, %add3A_22 : vector<512x16xf32>
    %get3A_24 = arith.constant 0 : index
    %get3A_25 = arith.constant 0 : index
    %get3A_26 = vector.load %arg6[%get3A_24, %get3A_25] : memref<1x16xf32, #tpu.memory_space<vmem>>, vector<1x16xf32>
    %mul3A = vector.broadcast %get3A_26 : vector<1x16xf32> to vector<512x16xf32>
    %mul3A_27 = arith.mulf %add3A_23, %mul3A : vector<512x16xf32>
    %reduce_max3A = arith.constant dense<0xFF800000> : vector<512xf32>
    %reduce_max3A_28 = vector.multi_reduction <maximumf>, %mul3A_27, %reduce_max3A [1] : vector<512x16xf32> to vector<512xf32>
    %broadcast_in_dim3A = vector.shape_cast %reduce_max3A_28 : vector<512xf32> to vector<512x1xf32>
    %sub3A = vector.broadcast %broadcast_in_dim3A : vector<512x1xf32> to vector<512x16xf32>
    %sub3A_29 = arith.subf %mul3A_27, %sub3A : vector<512x16xf32>
    %exp3A = math.exp %sub3A_29 : vector<512x16xf32>
    %reduce_sum3A = arith.constant dense<0.000000e+00> : vector<512xf32>
    %reduce_sum3A_30 = vector.multi_reduction <add>, %exp3A, %reduce_sum3A [1] : vector<512x16xf32> to vector<512xf32>
    %broadcast_in_dim3A_31 = vector.shape_cast %reduce_sum3A_30 : vector<512xf32> to vector<512x1xf32>
    %div3A = vector.broadcast %broadcast_in_dim3A_31 : vector<512x1xf32> to vector<512x16xf32>
    %div3A_32 = arith.divf %exp3A, %div3A : vector<512x16xf32>
    %swap3A = arith.constant 0 : index
    %swap3A_33 = arith.constant 0 : index
    %swap3A_34 = vector.load %arg9[%swap3A, %swap3A_33] : memref<512x16xf32, #tpu.memory_space<vmem>>, vector<512x16xf32>
    tpu.vector_store %arg9[%swap3A, %swap3A_33], %div3A_32 {strides = array<i32>} : memref<512x16xf32, #tpu.memory_space<vmem>>, vector<512x16xf32>,
    %iota3A = tpu.iota {dimensions = array<i32: 1>} : vector<512x16xi32>
    %reduce_max3A_35 = arith.constant dense<0xFF800000> : vector<512xf32>
    %reduce_max3A_36 = vector.multi_reduction <maximumf>, %div3A_32, %reduce_max3A_35 [1] : vector<512x16xf32> to vector<512xf32>
    %broadcast_in_dim3A_37 = vector.shape_cast %reduce_max3A_36 : vector<512xf32> to vector<512x1xf32>
    %eq3A_38 = vector.broadcast %broadcast_in_dim3A_37 : vector<512x1xf32> to vector<512x16xf32>
    %eq3A_39 = arith.cmpf oeq, %div3A_32, %eq3A_38 : vector<512x16xf32>
    %jit3A = arith.constant 16 : i32
    %broadcast_in_dim3A_40 = vector.broadcast %jit3A : i32 to vector<512x16xi32>
    %select_n3A = arith.select %eq3A_39, %iota3A, %broadcast_in_dim3A_40 : vector<512x16xi1>, vector<512x16xi32>
    %reduce_min3A = arith.constant dense<2147483647> : vector<512xi32>
    %reduce_min3A_41 = vector.multi_reduction <minsi>, %select_n3A, %reduce_min3A [1] : vector<512x16xi32> to vector<512xi32>
    %broadcast_in_dim3A_42 = vector.shape_cast %reduce_min3A_41 : vector<512xi32> to vector<512x1xi32>
    %eq3A_43 = vector.broadcast %broadcast_in_dim3A_42 : vector<512x1xi32> to vector<512x16xi32>
    %eq3A_44 = arith.cmpi eq, %iota3A, %eq3A_43 : vector<512x16xi32>
    %jit3A_45 = arith.constant -1.000000e+00 : f32
    %broadcast_in_dim3A_46 = vector.broadcast %jit3A_45 : f32 to vector<512x16xf32>
    %select_n3A_47 = arith.select %eq3A_44, %broadcast_in_dim3A_46, %div3A_32 : vector<512x16xi1>, vector<512x16xf32>
    %reduce_max3A_48 = arith.constant dense<0xFF800000> : vector<512xf32>
    %reduce_max3A_49 = vector.multi_reduction <maximumf>, %select_n3A_47, %reduce_max3A_48 [1] : vector<512x16xf32> to vector<512xf32>
    %broadcast_in_dim3A_50 = vector.shape_cast %reduce_max3A_49 : vector<512xf32> to vector<512x1xf32>
    %eq3A_51 = vector.broadcast %broadcast_in_dim3A_50 : vector<512x1xf32> to vector<512x16xf32>
    %eq3A_52 = arith.cmpf oeq, %select_n3A_47, %eq3A_51 : vector<512x16xf32>
    %jit3A_53 = arith.constant 16 : i32
    %broadcast_in_dim3A_54 = vector.broadcast %jit3A_53 : i32 to vector<512x16xi32>
    %select_n3A_55 = arith.select %eq3A_52, %iota3A, %broadcast_in_dim3A_54 : vector<512x16xi1>, vector<512x16xi32>
    %reduce_min3A_56 = arith.constant dense<2147483647> : vector<512xi32>
    %reduce_min3A_57 = vector.multi_reduction <minsi>, %select_n3A_55, %reduce_min3A_56 [1] : vector<512x16xi32> to vector<512xi32>
    %broadcast_in_dim3A_58 = vector.shape_cast %reduce_min3A_57 : vector<512xi32> to vector<512x1xi32>
    %eq3A_59 = vector.broadcast %broadcast_in_dim3A_58 : vector<512x1xi32> to vector<512x16xi32>
    %eq3A_60 = arith.cmpi eq, %iota3A, %eq3A_59 : vector<512x16xi32>
    %add3A_61 = arith.addf %broadcast_in_dim3A_37, %broadcast_in_dim3A_50 : vector<512x1xf32>
    %add3A_62 = arith.constant 9.99999993E-9 : f32
    %add3A_63 = vector.broadcast %add3A_62 : f32 to vector<512x1xf32>
    %add3A_64 = arith.addf %add3A_61, %add3A_63 : vector<512x1xf32>
    %div3A_65 = arith.divf %broadcast_in_dim3A_37, %add3A_64 : vector<512x1xf32>
    %div3A_66 = arith.divf %broadcast_in_dim3A_50, %add3A_64 : vector<512x1xf32>
    %convert_element_type3A_67 = arith.extui %eq3A_44 : vector<512x16xi1> to vector<512x16xi32>
    %convert_element_type3A_68 = arith.sitofp %convert_element_type3A_67 : vector<512x16xi32> to vector<512x16xf32>
    %convert_element_type3A_69 = arith.extui %eq3A_60 : vector<512x16xi1> to vector<512x16xi32>
    %convert_element_type3A_70 = arith.sitofp %convert_element_type3A_69 : vector<512x16xi32> to vector<512x16xf32>
    %add3A_71 = arith.addf %convert_element_type3A_68, %convert_element_type3A_70 : vector<512x16xf32>
    %iota3A_72 = tpu.iota {dimensions = array<i32: 0>} : vector<512x512xi32>
    %iota3A_73 = tpu.iota {dimensions = array<i32: 1>} : vector<512x512xi32>
    %gt3A = arith.cmpi sgt, %iota3A_72, %iota3A_73 : vector<512x512xi32>
    %convert_element_type3A_74 = arith.extui %gt3A : vector<512x512xi1> to vector<512x512xi32>
    %convert_element_type3A_75 = arith.sitofp %convert_element_type3A_74 : vector<512x512xi32> to vector<512x512xf32>
    %dot_general3A_76 = arith.constant dense<0.000000e+00> : vector<512x16xf32>
    %dot_general3A_77 = tpu.matmul %convert_element_type3A_75, %add3A_71, %dot_general3A_76 {dimension_numbers = #tpu.dot_dimension_numbers<[1], [0], [0], [1], [0, 0, 1, 1], [], []>, transpose_lhs_hint = false} : vector<512x512xf32>, vector<512x16xf32>, vector<512x16xf32> -> vector<512x16xf32>
    %get3A_78 = arith.constant 0 : index
    %get3A_79 = arith.constant 0 : index
    %get3A_80 = vector.load %arg11[%get3A_78, %get3A_79] : memref<8x128xf32, #tpu.memory_space<vmem>>, vector<1x16xf32>
    %add3A_81 = vector.broadcast %get3A_80 : vector<1x16xf32> to vector<512x16xf32>
    %add3A_82 = arith.addf %dot_general3A_77, %add3A_81 : vector<512x16xf32>
    %mul3A_83 = arith.mulf %add3A_82, %convert_element_type3A_68 : vector<512x16xf32>
    %reduce_sum3A_84 = arith.constant dense<0.000000e+00> : vector<512xf32>
    %reduce_sum3A_85 = vector.multi_reduction <add>, %mul3A_83, %reduce_sum3A_84 [1] : vector<512x16xf32> to vector<512xf32>
    %broadcast_in_dim3A_86 = vector.shape_cast %reduce_sum3A_85 : vector<512xf32> to vector<512x1xf32>
    %convert_element_type3A_87 = arith.fptosi %broadcast_in_dim3A_86 : vector<512x1xf32> to vector<512x1xi32>
    %mul3A_88 = arith.mulf %add3A_82, %convert_element_type3A_70 : vector<512x16xf32>
    %reduce_sum3A_89 = arith.constant dense<0.000000e+00> : vector<512xf32>
    %reduce_sum3A_90 = vector.multi_reduction <add>, %mul3A_88, %reduce_sum3A_89 [1] : vector<512x16xf32> to vector<512xf32>
    %broadcast_in_dim3A_91 = vector.shape_cast %reduce_sum3A_90 : vector<512xf32> to vector<512x1xf32>
    %convert_element_type3A_92 = arith.fptosi %broadcast_in_dim3A_91 : vector<512x1xf32> to vector<512x1xi32>
    %reduce_sum3A_93 = arith.constant dense<0.000000e+00> : vector<16xf32>
    %reduce_sum3A_94 = vector.multi_reduction <add>, %add3A_71, %reduce_sum3A_93 [0] : vector<512x16xf32> to vector<16xf32>
    %broadcast_in_dim3A_95 = vector.shape_cast %reduce_sum3A_94 : vector<16xf32> to vector<1x16xf32>
    %add3A_96 = arith.addf %get3A_80, %broadcast_in_dim3A_95 : vector<1x16xf32>
    %swap3A_97 = arith.constant 0 : index
    %swap3A_98 = arith.constant 0 : index
    %swap3A_99 = vector.load %arg11[%swap3A_97, %swap3A_98] : memref<8x128xf32, #tpu.memory_space<vmem>>, vector<1x16xf32>
    tpu.vector_store %arg11[%swap3A_97, %swap3A_98], %add3A_96 {strides = array<i32>} : memref<8x128xf32, #tpu.memory_space<vmem>>, vector<1x16xf32>,
    %get3A_100 = arith.constant 1 : index
    %get3A_101 = arith.constant 0 : index
    %get3A_102 = vector.load %arg11[%get3A_100, %get3A_101] : memref<8x128xf32, #tpu.memory_space<vmem>>, vector<1x16xf32>
    %reduce_sum3A_103 = arith.constant dense<0.000000e+00> : vector<16xf32>
    %reduce_sum3A_104 = vector.multi_reduction <add>, %div3A_32, %reduce_sum3A_103 [0] : vector<512x16xf32> to vector<16xf32>
    %broadcast_in_dim3A_105 = vector.shape_cast %reduce_sum3A_104 : vector<16xf32> to vector<1x16xf32>
    %add3A_106 = arith.addf %get3A_102, %broadcast_in_dim3A_105 : vector<1x16xf32>
    %swap3A_107 = arith.constant 1 : index
    %swap3A_108 = arith.constant 0 : index
    %swap3A_109 = vector.load %arg11[%swap3A_107, %swap3A_108] : memref<8x128xf32, #tpu.memory_space<vmem>>, vector<1x16xf32>
    tpu.vector_store %arg11[%swap3A_107, %swap3A_108], %add3A_106 {strides = array<i32>} : memref<8x128xf32, #tpu.memory_space<vmem>>, vector<1x16xf32>,
    %lt3A = arith.constant 256 : i32
    %lt3A_110 = vector.broadcast %lt3A : i32 to vector<512x1xi32>
    %lt3A_111 = arith.cmpi slt, %convert_element_type3A_87, %lt3A_110 : vector<512x1xi32>
    %mul3A_112 = arith.constant 256 : i32
    %mul3A_113 = vector.broadcast %mul3A_112 : i32 to vector<512x1xi32>
    %mul3A_114 = arith.muli %broadcast_in_dim3A_42, %mul3A_113 : vector<512x1xi32>
    %add3A_115 = arith.addi %mul3A_114, %convert_element_type3A_87 : vector<512x1xi32>
    %jit3A_116 = arith.constant -1 : i32
    %broadcast_in_dim3A_117 = vector.broadcast %jit3A_116 : i32 to vector<512x1xi32>
    %select_n3A_118 = arith.select %lt3A_111, %add3A_115, %broadcast_in_dim3A_117 : vector<512x1xi1>, vector<512x1xi32>
    %lt3A_119 = arith.constant 256 : i32
    %lt3A_120 = vector.broadcast %lt3A_119 : i32 to vector<512x1xi32>
    %lt3A_121 = arith.cmpi slt, %convert_element_type3A_92, %lt3A_120 : vector<512x1xi32>
    %mul3A_122 = arith.constant 256 : i32
    %mul3A_123 = vector.broadcast %mul3A_122 : i32 to vector<512x1xi32>
    %mul3A_124 = arith.muli %broadcast_in_dim3A_58, %mul3A_123 : vector<512x1xi32>
    %add3A_125 = arith.addi %mul3A_124, %convert_element_type3A_92 : vector<512x1xi32>
    %jit3A_126 = arith.constant -1 : i32
    %broadcast_in_dim3A_127 = vector.broadcast %jit3A_126 : i32 to vector<512x1xi32>
    %select_n3A_128 = arith.select %lt3A_121, %add3A_125, %broadcast_in_dim3A_127 : vector<512x1xi1>, vector<512x1xi32>
    %concatenate3A = tpu.concatenate %select_n3A_118, %select_n3A_128 in 1 : vector<512x1xi32>, vector<512x1xi32> -> vector<512x2xi32>
    %swap3A_129 = arith.constant 0 : index
    %swap3A_130 = arith.constant 0 : index
    %swap3A_131 = vector.load %arg7[%swap3A_129, %swap3A_130] : memref<512x2xi32, #tpu.memory_space<vmem>>, vector<512x2xi32>
    tpu.vector_store %arg7[%swap3A_129, %swap3A_130], %concatenate3A {strides = array<i32>} : memref<512x2xi32, #tpu.memory_space<vmem>>, vector<512x2xi32>,
    %concatenate3A_132 = tpu.concatenate %div3A_65, %div3A_66 in 1 : vector<512x1xf32>, vector<512x1xf32> -> vector<512x2xf32>
    %swap3A_133 = arith.constant 0 : index
    %swap3A_134 = arith.constant 0 : index
    %swap3A_135 = vector.load %arg8[%swap3A_133, %swap3A_134] : memref<512x2xf32, #tpu.memory_space<vmem>>, vector<512x2xf32>
    tpu.vector_store %arg8[%swap3A_133, %swap3A_134], %concatenate3A_132 {strides = array<i32>} : memref<512x2xf32, #tpu.memory_space<vmem>>, vector<512x2xf32>,
    %get3A_136 = arith.constant 0 : index
    %get3A_137 = arith.constant 0 : index
    %get3A_138 = vector.load %arg11[%get3A_136, %get3A_137] : memref<8x128xf32, #tpu.memory_space<vmem>>, vector<1x16xf32>
    %get3A_139 = arith.constant 1 : index
    %get3A_140 = arith.constant 0 : index
    %get3A_141 = vector.load %arg11[%get3A_139, %get3A_140] : memref<8x128xf32, #tpu.memory_space<vmem>>, vector<1x16xf32>
    %div3A_142 = arith.constant 2.048000e+03 : f32
    %div3A_143 = vector.broadcast %div3A_142 : f32 to vector<1x16xf32>
    %div3A_144 = arith.divf %get3A_141, %div3A_143 : vector<1x16xf32>
    %div3A_145 = arith.constant 4.096000e+03 : f32
    %div3A_146 = vector.broadcast %div3A_145 : f32 to vector<1x16xf32>
    %div3A_147 = arith.divf %get3A_138, %div3A_146 : vector<1x16xf32>
    %mul3A_148 = arith.mulf %div3A_144, %div3A_147 : vector<1x16xf32>
    %reduce_sum3A_149 = arith.constant dense<0.000000e+00> : vector<1xf32>
    %reduce_sum3A_150 = vector.multi_reduction <add>, %mul3A_148, %reduce_sum3A_149 [1] : vector<1x16xf32> to vector<1xf32>
    %broadcast_in_dim3A_151 = vector.shape_cast %reduce_sum3A_150 : vector<1xf32> to vector<1x1xf32>
    %mul3A_152 = arith.constant 1.600000e+00 : f32
    %mul3A_153 = vector.broadcast %mul3A_152 : f32 to vector<1x1xf32>
    %mul3A_154 = arith.mulf %mul3A_153, %broadcast_in_dim3A_151 : vector<1x1xf32>
    %swap3A_155 = arith.constant 0 : index
    %swap3A_156 = arith.constant 0 : index
    %swap3A_157 = vector.load %arg10[%swap3A_155, %swap3A_156] : memref<1x1xf32, #tpu.memory_space<vmem>>, vector<1x1xf32>
    tpu.vector_store %arg10[%swap3A_155, %swap3A_156], %mul3A_154 {strides = array<i32>} : memref<1x1xf32, #tpu.memory_space<vmem>>, vector<1x1xf32>,
    return
  }
  func.func @transform_0(%arg0: i32) -> (i32, i32) {
    %c0_i32 = arith.constant 0 : i32
    %c0_i32_0 = arith.constant 0 : i32
    return %arg0, %c0_i32 : i32, i32
  }
  func.func @transform_1(%arg0: i32) -> (i32, i32) {
    %c0_i32 = arith.constant 0 : i32
    %c0_i32_0 = arith.constant 0 : i32
    %c0_i32_1 = arith.constant 0 : i32
    return %c0_i32, %c0_i32_0 : i32, i32
  }
  func.func @transform_2(%arg0: i32) -> (i32, i32) {
    %c0_i32 = arith.constant 0 : i32
    %c0_i32_0 = arith.constant 0 : i32
    %c0_i32_1 = arith.constant 0 : i32
    return %c0_i32, %c0_i32_0 : i32, i32
  }
  func.func @transform_3(%arg0: i32) -> (i32, i32) {
    %c0_i32 = arith.constant 0 : i32
    %c0_i32_0 = arith.constant 0 : i32
    %c0_i32_1 = arith.constant 0 : i32
    return %c0_i32, %c0_i32_0 : i32, i32
  }
  func.func @transform_4(%arg0: i32) -> (i32, i32) {
    %c0_i32 = arith.constant 0 : i32
    %c0_i32_0 = arith.constant 0 : i32
    %c0_i32_1 = arith.constant 0 : i32
    return %c0_i32, %c0_i32_0 : i32, i32
  }
  func.func @transform_5(%arg0: i32) -> (i32, i32) {
    %c0_i32 = arith.constant 0 : i32
    %c0_i32_0 = arith.constant 0 : i32
    %c0_i32_1 = arith.constant 0 : i32
    return %c0_i32, %c0_i32_0 : i32, i32
  }
  func.func @transform_6(%arg0: i32) -> (i32, i32) {
    %c0_i32 = arith.constant 0 : i32
    %c0_i32_0 = arith.constant 0 : i32
    return %arg0, %c0_i32 : i32, i32
  }
  func.func @transform_7(%arg0: i32) -> (i32, i32) {
    %c0_i32 = arith.constant 0 : i32
    %c0_i32_0 = arith.constant 0 : i32
    return %arg0, %c0_i32 : i32, i32
  }
  func.func @transform_8(%arg0: i32) -> (i32, i32) {
    %c0_i32 = arith.constant 0 : i32
    %c0_i32_0 = arith.constant 0 : i32
    return %arg0, %c0_i32 : i32, i32
  }
  func.func @transform_9(%arg0: i32) -> (i32, i32) {
    %c0_i32 = arith.constant 0 : i32
    %c0_i32_0 = arith.constant 0 : i32
    %c0_i32_1 = arith.constant 0 : i32
    return %c0_i32, %c0_i32_0 : i32, i32
  }
}

</mosaic_0001>

<sc_bundles>
// kernel: kernel.4.cloned.1.call-start
scs
__scs_entry_jumppad:
0x0: {  	(pc) =	sbr.rel $0x88, $3  }
0x1: {  	(tag) =	ssettag $0x0;
	lr =	simm.s32 $0x1  }
0x2: {  	[smem:$0x3F9B] =	sst lr;
	_ =	strace $0xD0000000  }
0x3: {  	_ = 	snop  }
0x4: {  	_ = 	snop  }
0x5: {  	_ = 	snop  }
0x6: {  	_ = 	snop  }
0x7: {  	_ = 	snop  }
__scs_overlays_trampoline_lowered:
0x8: {  	[smem:$0x3FAA] =	sst s0  }
0x9: {  	[smem:$0x3FAB] =	sst s1  }
0xa: {  	[smem:$0x3FAC] =	sst s2  }
0xb: {  	[smem:$0x3FAD] =	sst s3  }
0xc: {  	[smem:$0x3FAE] =	sst s4  }
0xd: {  	[smem:$0x3FAF] =	sst s5  }
0xe: {  	[smem:$0x3FB0] =	sst s6  }
0xf: {  	[smem:$0x3FB1] =	sst s7  }
0x10: {  	[smem:$0x3FB2] =	sst s8  }
0x11: {  	[smem:$0x3FB3] =	sst s9;
	s0 =	simm.s32 @!p0 $0x0  }
0x12: {  	s1 =	sld [smem:$0x3F99];
	s0 =	simm.s32 @p0 $0x1  }
0x13: {  	[smem:$0x3FB4] =	sst s0;
	s0 =	simm.s32 @!p1 $0x0  }
0x14: {  	s2 =	sld [smem:$0x3F98];
	s0 =	simm.s32 @p1 $0x1  }
0x15: {  	[smem:$0x3FB5] =	sst s0;
	s0 =	simm.s32 @!p2 $0x0  }
0x16: {  	s3 =	sld [smem:$0x3FDB];
	s0 =	simm.s32 @p2 $0x1  }
0x17: {  	s4 =	simm.s32 $0x1BF5;
	[smem:$0x3FB7] =	sst s0  }
0x18: {  	s0 =	sld [smem:$0x3F9A];
	_ =	swait.ge [sflag:s4], $0x0  }
0x19: {  	s7 =	sld [smem:$0x3F9B]  }
0x1a: {  	s8 =	sadd.s32 $0xFFFFE003, lr  }
0x1b: {  	s9 =	sadd.s32 $0xFFFFFEF7, lr;
	s5 =	simm.s32 $0xFFFFFFFF;
	p2 =	slt.u32 s8, $0xFFFFF086  }
0x1c: {  	p1 =	slt.u32 s9, $0xF7A;
	s5 =	simm.s32 @!p2 $0x0  }
0x1d: {  	s5 =	simm.s32 @p1 $0x1;
	p0 =	seq.s32 s7, s2  }
0x1e: {  	s7 =	smul.u32 @!p0 $0xF7A, s2;
	p2 =	seq.s32 @!p0 s5, $0x0  }
0x1f: {  	s9 =	smul.u32 $0xF7A, s1;
	s8 =	simm.s32 @!p0 $0x1BF5;
	p2 =	por !p2, p0  }
0x20: {  	[sflag:s8] =	ssyncset.s32 @!p0 $0xFFFFF086;
	s6 =	sadd.s32 @!p0 s3, s7;
	s7 =	simm.s32 @!p0 $0x108  }
0x21: {  	s3 =	sadd.s32 s3, s9;
	s6 =	sadd.s32 @!p0 $0x88, s6;
	s7 =	simm.s32 @p2 $0x1082  }
0x22: {  	[simem:s7], [sflag:s8] =	dma.local @!p0 [hbm:s6], $0xF7A  }
0x23: {  	s9 =	sor.u32 $0xD0000000, s2;
	s6 =	simm.s32 $0x108;
	_ =	swait.ge @!p0 [sflag:s8], $0x0  }
0x24: {  	s3 =	sadd.s32 $0x88, s3;
	s6 =	simm.s32 @!p1 $0x1082;
	[sflag:s4] =	ssyncset.s32 $0xFFFFF086  }
0x25: {  	[simem:s6], [sflag:s4] =	dma.local [hbm:s3], $0xF7A  }
0x26: {  	[smem:$0x3F9B] =	sst s1;
	(tag) =	ssettag s2;
	_ =	strace s9  }
0x27: {  	s1 =	sld [smem:$0x3FAB]  }
0x28: {  	s2 =	sld [smem:$0x3FAC]  }
0x29: {  	s4 =	sld [smem:$0x3FAE]  }
0x2a: {  	p0 =	seq.s32 s5, $0x0;
	s5 =	sld [smem:$0x3FAF]  }
0x2b: {  	s6 =	sld [smem:$0x3FB0]  }
0x2c: {  	s7 =	sld [smem:$0x3FB1]  }
0x2d: {  	s3 =	simm.s32 $0x108;
	s8 =	sld [smem:$0x3FB2]  }
0x2e: {  	s3 =	simm.s32 @!p0 $0x1082;
	s9 =	sld [smem:$0x3FB3]  }
0x2f: {  	lr =	sadd.s32 s0, s3;
	s0 =	sld [smem:$0x3FAA]  }
0x30: {  	s3 =	sld [smem:$0x3FAD]  }
0x31: {  	[smem:$0x3FB6] =	sst s10  }
0x32: {  	s10 =	sld [smem:$0x3FB4];
	_ =	sdelay $0x3  }
0x33: {  	p0 =	seq.s32 s10, $0x1;
	s10 =	sld [smem:$0x3FB6];
	_ =	sdelay $0x3  }
0x34: {  	[smem:$0x3FB6] =	sst s10  }
0x35: {  	s10 =	sld [smem:$0x3FB5];
	_ =	sdelay $0x3  }
0x36: {  	p1 =	seq.s32 s10, $0x1;
	s10 =	sld [smem:$0x3FB6];
	_ =	sdelay $0x3  }
0x37: {  	[smem:$0x3FB6] =	sst s10  }
0x38: {  	s10 =	sld [smem:$0x3FB7]  }
0x39: {  	_ = 	snop;
	(pc) =	sbr.ind lr, $3  }
0x3a: {  	_ = 	snop  }
0x3b: {  	_ = 	snop  }
0x3c: {  	p2 =	seq.s32 s10, $0x1;
	s10 =	sld [smem:$0x3FB6]  }
0x3d: {  	_ =	shalt  }
0x3e: {  	_ =	shalt  }
0x3f: {  	_ =	shalt  }
0x40: {  	_ =	shalt  }
0x41: {  	_ =	shalt  }
0x42: {  	_ =	shalt  }
0x43: {  	_ =	shalt  }
0x44: {  	_ =	shalt  }
0x45: {  	_ =	shalt  }
0x46: {  	_ =	shalt  }
0x47: {  	_ =	shalt  }
0x48: {  	_ =	shalt  }
0x49: {  	_ =	shalt  }
0x4a: {  	_ =	shalt  }
0x4b: {  	_ =	shalt  }
0x4c: {  	_ =	shalt  }
0x4d: {  	_ =	shalt  }
0x4e: {  	_ =	shalt  }
0x4f: {  	_ =	shalt  }
0x50: {  	_ =	shalt  }
0x51: {  	_ =	shalt  }
0x52: {  	_ =	shalt  }
0x53: {  	_ =	shalt  }
0x54: {  	_ =	shalt  }
0x55: {  	_ =	shalt  }
0x56: {  	_ =	shalt  }
0x57: {  	_ =	shalt  }
0x58: {  	_ =	shalt  }
0x59: {  	_ =	shalt  }
0x5a: {  	_ =	shalt  }
0x5b: {  	_ =	shalt  }
0x5c: {  	_ =	shalt  }
0x5d: {  	_ =	shalt  }
0x5e: {  	_ =	shalt  }
0x5f: {  	_ =	shalt  }
0x60: {  	_ =	shalt  }
0x61: {  	_ =	shalt  }
0x62: {  	_ =	shalt  }
0x63: {  	_ =	shalt  }
0x64: {  	_ =	shalt  }
0x65: {  	_ =	shalt  }
0x66: {  	_ =	shalt  }
0x67: {  	_ =	shalt  }
0x68: {  	_ =	shalt  }
0x69: {  	_ =	shalt  }
0x6a: {  	_ =	shalt  }
0x6b: {  	_ =	shalt  }
0x6c: {  	_ =	shalt  }
0x6d: {  	_ =	shalt  }
0x6e: {  	_ =	shalt  }
0x6f: {  	_ =	shalt  }
0x70: {  	_ =	shalt  }
0x71: {  	_ =	shalt  }
0x72: {  	_ =	shalt  }
0x73: {  	_ =	shalt  }
0x74: {  	_ =	shalt  }
0x75: {  	_ =	shalt  }
0x76: {  	_ =	shalt  }
0x77: {  	_ =	shalt  }
0x78: {  	_ =	shalt  }
0x79: {  	_ =	shalt  }
0x7a: {  	_ =	shalt  }
0x7b: {  	_ =	shalt  }
0x7c: {  	_ =	shalt  }
0x7d: {  	_ =	shalt  }
0x7e: {  	_ =	shalt  }
0x7f: {  	_ =	shalt  }
0x80: {  	_ =	shalt  }
0x81: {  	_ =	shalt  }
0x82: {  	_ =	shalt  }
0x83: {  	_ =	shalt  }
0x84: {  	_ =	shalt  }
0x85: {  	_ =	shalt  }
0x86: {  	_ =	shalt  }
0x87: {  	_ =	shalt  }
.Lfunc_end0:
.L_simem_size_0:
called_computation_lowered:
.L_overlay_start_0:
0x88: {  	s2 =	sld [smem:$0x3FD9]  }
0x89: {  	s3 =	sld [smem:$0x3FFE];
	_ =	sdelay $0x1  }
0x8a: {  	s1 =	srdreg.scid  }
0x8b: {  	s0 =	sand.u32 $0x1, s1  }
0x8c: {  	s14 =	sshll.u32 s0, $0xA;
	s2 =	sadd.s32 s3, s2  }
0x8d: {  	s2 =	sadd.s32 s2, s14  }
0x8e: {  	[smem:$0x3FC2] =	sst s2  }
0x8f: {  	_ = 	snop  }
0x90: {  	s2 =	sld [smem:$0x3FD0];
	_ =	sdelay $0x2  }
0x91: {  	s15 =	simm.s32 $0xA;
	s4 =	simm.s32 $0x10  }
0x92: {  	[smem:s4], [sflag:s15] =	dma.local [hbm:s2], $0x1  }
0x93: {  	_ =	swait.eq [sflag:s15], $0x1  }
0x94: {  	[sflag:s15] =	ssyncset.done $0x0  }
0x95: {  	s16 =	sld [smem:$0x10];
	[sflag:s15] =	ssyncadd.s32 $0xFFFFFFFF  }
0x96: {  	s17 =	sld [smem:$0x11];
	(tm) =	ssettm $0x1  }
0x97: {  	s18 =	sld [smem:$0x3FFB];
	_ =	sdelay $0x3  }
0x98: {  	_ =	strace s18  }
0x99: {  	s4 =	sld [smem:$0x3FFC];
	_ =	sdelay $0x3  }
0x9a: {  	_ =	strace s4  }
0x9b: {  	s4 =	sld [smem:$0x3FFD];
	_ =	sdelay $0x3  }
0x9c: {  	_ =	strace s4  }
0x9d: {  	_ =	strace $0x8FFFFFFF  }
0x9e: {  	s19 =	sld [smem:$0x3FDB];
	_ =	sdelay $0x1  }
0x9f: {  	s5 =	simm.s32 $_scs_section_size  }
0xa0: {  	s6 =	simm.s32 $_size__tile_overlayer_lowered;
	s7 =	simm.s32 $_tile_overlayer_lowered  }
0xa1: {  	s22 =	simm.s32 $0x1BFF;
	s21 =	sshll.u32 s7, $0x1;
	s4 =	sadd.s32 s5, s19  }
0xa2: {  	s8 =	simm.s32 $0x0;
	s20 =	sshll.u32 s6, $0x1;
	s6 =	sadd.s32 s21, s4  }
0xa3: {  	[timem:s8], [sflag:s22] =	dma.local [hbm:s6], s20  }
0xa4: {  	_ =	swait.ge [sflag:s22], s20  }
0xa5: {  	s5 =	ssub.s32 $0x0, s20;
	[sflag:s22] =	ssyncset.done $0x0  }
0xa6: {  	[sflag:s22] =	ssyncadd.s32 s5;
	_ =	sdelay $0x1  }
0xa7: {  	s23 =	simm.s32 $0x1B8B  }
0xa8: {  	_ =	swait.ge [sflag:s23], $0x1  }
0xa9: {  	[sflag:s23] =	ssyncset.done $0x0  }
0xaa: {  	s25 =	simm.s32 $0x1B8E;
	s24 =	sld [smem:$0x3FFE];
	[sflag:s23] =	ssyncadd.s32 $0xFFFFFFFF  }
0xab: {  	s26 =	simm.s32 $execute0_lowered;
	[smem:$0x3FD2] =	sst s25  }
0xac: {  	s6 =	sshll.u32 s26, $0x1;
	_ =	strace $0x80000046;
	[dreg:$0x1] =	wrdreg $0xFFFFFFFF  }
0xad: {  	s28 =	simm.s32 $_size_execute0_lowered;
	s4 =	sadd.s32 s4, s6;
	[dreg:$0x0] =	wrdreg $0x0  }
0xae: {  	s6 =	sshll.u32 s28, $0x1;
	[dreg:$0x2] =	wrdreg s4  }
0xaf: {  	[dreg:$0x3] =	wrdreg s6  }
0xb0: {  	[dreg:$0x4] =	wrdreg $0xC0  }
0xb1: {  	_ =	task [dreg:s8], $0x5FFFF  }
0xb2: {  	[dreg:$0x1] =	wrdreg $0xFFFFFFFF  }
0xb3: {  	[dreg:$0x0] =	wrdreg $0x60  }
0xb4: {  	[dreg:$0x2] =	wrdreg s24  }
0xb5: {  	[dreg:$0x3] =	wrdreg s16  }
0xb6: {  	[dreg:$0x4] =	wrdreg s17  }
0xb7: {  	[dreg:$0x5] =	wrdreg $0x9  }
0xb8: {  	_ =	task.clear_ibuf [dreg:s8], $0x6FFFF;
	_ =	strace $0x90000046  }
0xb9: {  	s29 =	simm.s32 $0x9;
	_ =	strace $0x80000048  }
0xba: {  	_ =	swait.ge [sflag:s29], $0x1  }
0xbb: {  	[sflag:s29] =	ssyncadd.s32 $0xFFFFFFFF  }
0xbc: {  	_ =	strace $0x90000048  }
0xbd: {  	_ =	sfence  }
0xbe: {  	s30 =	sld [smem:$0x0];
	_ =	sdelay $0x2  }
0xbf: {  	s31 =	sshll.u32 s1, $0xD;
	s1 =	sshrl.u32 s1, $0x2  }
0xc0: {  	s3 =	sand.u32 $0x4000, s31;
	s1 =	sadd.s32 s1, s30  }
0xc1: {  	s0 =	sor.u32 s3, s0;
	s1 =	sshll.u32 s1, $0x11  }
0xc2: {  	s0 =	sor.u32 s1, s0  }
0xc3: {  	s0 =	sadd.s32 $0x8F2B, s0  }
0xc4: {  	[sflag:s0] =	ssyncadd.remote.s32 $0x1  }
0xc5: {  	_ =	sfence.sel $0xFFFF  }
0xc6: {  	[dreg:$0x0] =	wrdreg $0xFFFFFFFF;
	(pc) =	sbr.abs _section_cstart, $3  }
0xc7: {  	[dreg:$0x1] =	wrdreg $0xFFFFFFFF  }
0xc8: {  	_ =	task.clear_ibuf [dreg:s8], $0x2FFFF;
	_ =	strace $0x9FFFFFFF  }
0xc9: {  	(tm) =	ssettm $0x7FFFFFFF  }
tec
execute0_lowered:
.L_overlay_start_1:
0x0: {  	(tag) =	ssettag $0x1  }
0x1: {  	s3 =	rddreg [dreg:$0x0]  }
0x2: {  	s5 =	rddreg [dreg:$0x1]  }
0x3: {  	s6 =	rddreg [dreg:$0x2]  }
0x4: {  	s0 =	rddreg [dreg:$0x3];
	s4 =	srdreg.scid  }
0x5: {  	s2 =	simm.s32 $0x0;
	s1 =	stileid.u32;
	s10 =	simm.s32 $0x100  }
0x6: {  	s11 =	simm.s32 $0x8100;
	s12 =	simm.s32 $0x1;
	s13 =	simm.s32 $0x0  }
0x7: {  	s7 =	sand.u32 $0x1, s4;
	s29 =	sshll.u32 s1, $0x5;
	[smem:$0x7FF] =	sst s2  }
0x8: {  	s31 =	sshll.u32 s1, $0x10;
	s8 =	sshll.u32 s7, $0x4;
	s9 =	ssub.s32 $0x2, s7  }
0x9: {  	_ =	strace $0x80000047;
	s6 =	sadd.s32 s31, s6;
	s7 =	sshll.u32 s7, $0xF  }
0xa: {  	s4 =	sor.u32 s8, s29;
	s30 =	sshrl.u32 s9, $0x1;
	s6 =	sadd.s32 s7, s6  }
0xb: {  	v0 =	vlaneseq.u32;
	s4 =	sadd.s32 s4, s3;
	s8 =	ssub.s32 s9, s30;
	s9 =	sadd.s32 s31, s5  }
0xc: {  	v1 =	vshrl.u32 v0, $0x1;
	s3 =	sadd.s32 $0x1000, s4;
	s4 =	sadd.s32 $0x1200, s4;
	s5 =	smax.u32 s8, $0x1  }
0xd: {  	v2 =	vimm.f32 $1.000000000e+00;
	v0 =	vimm.f32 $0.0e+00;
	v1 =	vmul.u32 $0x1000, v1;
	s7 =	sadd.s32 s7, s9;
	s8 =	simm.s32 $0x2;
	s9 =	simm.s32 $0x80  }
.LBB2_1:
0xe: {  	[tilespmem:s2], [sflag:$0x2] =	stream.linear.gather [hbm4b:s3+s2], $0x80, $0x38;
	[tilespmem:$0x10100] =	vst v63  }
0xf: {  	_ =	swait.ge [sflag:s8], $0x80  }
0x10: {  	s14 =	simm.s32 $0x0;
	s15 =	sand.u32 $0x70, s2;
	[sflag:s8] =	ssyncset.done $0x0  }
0x11: {  	s16 =	sand.u32 $0x400, s2;
	s17 =	simm.s32 $0x0;
	[sflag:s8] =	ssyncadd.s32 $0xFFFFFF80  }
0x12: {  	[tilespmem:s9], [sflag:$0x2] =	stream.linear.gather [hbm4b:s4+s2], $0x80, $0x38;
	[tilespmem:$0x10100] =	vst v63  }
0x13: {  	s14 =	sand.u32 $0x800, s14;
	s15 =	sor.u32 s16, s15;
	_ =	swait.ge [sflag:s8], $0x80  }
0x14: {  	s31 =	sand.u32 $0x380, s17;
	s14 =	sor.u32 s14, s15;
	[sflag:s8] =	ssyncset.done $0x0  }
0x15: {  	s14 =	sor.u32 s31, s14;
	[sflag:s8] =	ssyncadd.s32 $0xFFFFFF80  }
0x16: {  	[tilespmem:s14+$0xF100] =	vst v0  }
0x17: {  	[tilespmem:s14+$0x100] =	vst v0  }
0x18: {  	[tilespmem:s14+$0x8100] =	vst v0  }
0x19: {  	[tilespmem:s14+$0x1100] =	vst v0  }
0x1a: {  	[tilespmem:s14+$0x9100] =	vst v0  }
0x1b: {  	[tilespmem:s14+$0x2100] =	vst v0  }
0x1c: {  	[tilespmem:s14+$0xA100] =	vst v0  }
0x1d: {  	[tilespmem:s14+$0x3100] =	vst v0  }
0x1e: {  	[tilespmem:s14+$0xB100] =	vst v0  }
0x1f: {  	[tilespmem:s14+$0x4100] =	vst v0  }
0x20: {  	s19 =	simm.s32 $0x10;
	[tilespmem:s14+$0xC100] =	vst v0  }
0x21: {  	s18 =	simm.s32 $0x8;
	s16 =	simm.s32 $0x80;
	s15 =	simm.s32 $0x10;
	[tilespmem:s14+$0x5100] =	vst v0  }
0x22: {  	s17 =	simm.s32 $0x2;
	s21 =	sand.u32 $0x400, s16;
	s20 =	sand.u32 $0x70, s15;
	[tilespmem:s14+$0xD100] =	vst v0  }
.LBB2_2:
0x23: {  	p0 =	sne.s32 s17, $0xFF;
	s19 =	sand.u32 $0x800, s19;
	s20 =	sor.u32 s21, s20;
	[tilespmem:s14+$0x6100] =	vst v0  }
0x24: {  	s18 =	sand.u32 $0x380, s18;
	s19 =	sor.u32 s19, s20;
	[tilespmem:s14+$0xE100] =	vst v0  }
0x25: {  	[tilespmem:s14+$0x7100] =	vst v0;
	s14 =	sor.u32 s18, s19  }
0x26: {  	[tilespmem:s14+$0xF100] =	vst v0  }
0x27: {  	[tilespmem:s14+$0x100] =	vst v0  }
0x28: {  	[tilespmem:s14+$0x8100] =	vst v0  }
0x29: {  	[tilespmem:s14+$0x1100] =	vst v0  }
0x2a: {  	[tilespmem:s14+$0x9100] =	vst v0  }
0x2b: {  	[tilespmem:s14+$0x2100] =	vst v0  }
0x2c: {  	[tilespmem:s14+$0xA100] =	vst v0  }
0x2d: {  	[tilespmem:s14+$0x3100] =	vst v0  }
.Ltmp0:
0x2e: {  	[tilespmem:s14+$0xB100] =	vst v0;
	(pc) =	sbr.rel @p0 .LBB2_2-.Ltmp0, $4  }
0x2f: {  	[tilespmem:s14+$0x4100] =	vst v0  }
0x30: {  	s15 =	sadd.s32 $0x10, s15;
	[tilespmem:s14+$0xC100] =	vst v0  }
0x31: {  	s16 =	sadd.s32 $0x80, s16;
	s19 =	sshll.u32 s17, $0x4;
	s18 =	sshll.u32 s17, $0x3;
	[tilespmem:s14+$0x5100] =	vst v0  }
0x32: {  	s20 =	sand.u32 $0x70, s15;
	s21 =	sand.u32 $0x400, s16;
	s17 =	sadd.s32 $0x1, s17;
	[tilespmem:s14+$0xD100] =	vst v0  }
0x33: {  	s15 =	sand.u32 $0x800, s19;
	s16 =	sor.u32 s21, s20;
	[tilespmem:s14+$0x6100] =	vst v0  }
0x34: {  	s17 =	sand.u32 $0x380, s18;
	[tilespmem:s14+$0xE100] =	vst v0;
	s15 =	sor.u32 s15, s16  }
0x35: {  	[tilespmem:s14+$0x7100] =	vst v0;
	s15 =	sor.u32 s17, s15  }
0x36: {  	[tilespmem:s15+$0xF100] =	vst v0  }
0x37: {  	[tilespmem:s15+$0x100] =	vst v0  }
0x38: {  	[tilespmem:s15+$0x8100] =	vst v0  }
0x39: {  	[tilespmem:s15+$0x1100] =	vst v0  }
0x3a: {  	[tilespmem:s15+$0x9100] =	vst v0  }
0x3b: {  	[tilespmem:s15+$0x2100] =	vst v0  }
0x3c: {  	[tilespmem:s15+$0xA100] =	vst v0  }
0x3d: {  	[tilespmem:s15+$0x3100] =	vst v0  }
0x3e: {  	[tilespmem:s15+$0xB100] =	vst v0  }
0x3f: {  	[tilespmem:s15+$0x4100] =	vst v0  }
0x40: {  	[tilespmem:s15+$0xC100] =	vst v0  }
0x41: {  	[tilespmem:s15+$0x5100] =	vst v0  }
0x42: {  	[tilespmem:s15+$0xD100] =	vst v0  }
0x43: {  	[tilespmem:s15+$0x6100] =	vst v0  }
0x44: {  	[tilespmem:s15+$0xE100] =	vst v0  }
0x45: {  	s31 =	simm.s32 $0x0;
	[tilespmem:s15+$0x7100] =	vst v0  }
0x46: {  	v3 =	vld [tilespmem:s31+$0x0];
	_ =	sdelay $0x4  }
0x47: {  	vm0 =	vgt.s32 v3, $0x0  }
0x48: {  	v4 =	vnsel vm0, $0x0, v3  }
0x49: {  	v5 =	vshll.u32 v4, $0x3  }
0x4a: {  	v6 =	vshrl.u32 v4, $0x1;
	v7 =	vand.u32 $0x7FFFF800, v4;
	v5 =	vand.u32 $0x400, v5  }
0x4b: {  	v6 =	vand.u32 $0x380, v6;
	v5 =	vor.u32 v5, v7  }
0x4c: {  	v4 =	vand.u32 $0x7F, v4;
	v5 =	vor.u32 v6, v5  }
0x4d: {  	vm0 =	vgt.s32 v3, $0xFFFFFFFF;
	v3 =	vor.u32 v4, v5  }
0x4e: {  	v3 =	vadd.s32 v1, v3  }
0x4f: {  	v4 =	vld [tilespmem:s31+$0x80];
	_ =	sdelay $0x3  }
0x50: {  	[tilespmem:v3+s10+$0x0] =	vst.idx.msk vm0, v2  }
0x51: {  	[tilespmem:v3+s11+$0x0] =	vst.idx.msk vm0, v4  }
0x52: {  	[hbm4b:s7+s2] =	stream.linear.scatter [tilespmem:s10], [sflag:$0x1], $0x8000, $0x38;
	[tilespmem:$0x10100] =	vst v63  }
0x53: {  	_ = 	snop  }
0x54: {  	[hbm4b:s6+s2] =	stream.linear.scatter [tilespmem:s11], [sflag:$0x1], $0x8000, $0x38;
	[tilespmem:$0x10100] =	vst v63  }
0x55: {  	_ =	swait.ge [sflag:s12], $0x8000  }
0x56: {  	[sflag:s12] =	ssyncset.done $0x0  }
0x57: {  	[sflag:s12] =	ssyncadd.s32 $0xFFFF8000  }
0x58: {  	_ =	swait.ge [sflag:s12], $0x8000  }
0x59: {  	[sflag:s12] =	ssyncset.done $0x0  }
0x5a: {  	s14 =	smov.u32 s6;
	[sflag:s12] =	ssyncadd.s32 $0xFFFF8000  }
0x5b: {  	s16 =	simm.s32 $0x40;
	s17 =	simm.s32 $0x80;
	s15 =	sadd.s32 $0x1000, s7;
	[tilespmem:v3+s10+$0x0] =	vst.idx.msk vm0, v0  }
.LBB2_4:
0x5c: {  	s18 =	sshra.s32 s16, $0x2  }
0x5d: {  	[tilespmem:v3+s11+$0x0] =	vst.idx.msk vm0, v0;
	s14 =	sadd.s32 $0x1000, s14;
	s16 =	smov.u32 s17;
	s19 =	sadd.s32 $0x40, s17  }
0x5e: {  	p0 =	sne.s32 s17, $0x1C0;
	v3 =	vld [tilespmem:s18+$0x0];
	_ =	sdelay $0x4  }
0x5f: {  	vm0 =	vgt.s32 v3, $0x0  }
0x60: {  	v4 =	vnsel vm0, $0x0, v3  }
0x61: {  	v5 =	vshll.u32 v4, $0x3;
	v6 =	vshrl.u32 v4, $0x1  }
0x62: {  	v7 =	vand.u32 $0x7FFFF800, v4;
	v5 =	vand.u32 $0x400, v5  }
0x63: {  	v6 =	vand.u32 $0x380, v6;
	v5 =	vor.u32 v5, v7  }
0x64: {  	v4 =	vand.u32 $0x7F, v4;
	v5 =	vor.u32 v6, v5  }
0x65: {  	vm0 =	vgt.s32 v3, $0xFFFFFFFF;
	v3 =	vor.u32 v4, v5  }
0x66: {  	v3 =	vadd.s32 v1, v3  }
0x67: {  	v4 =	vld [tilespmem:s18+$0x80];
	_ =	sdelay $0x3  }
0x68: {  	[tilespmem:v3+s10+$0x0] =	vst.idx.msk vm0, v2  }
0x69: {  	[tilespmem:v3+s11+$0x0] =	vst.idx.msk vm0, v4  }
0x6a: {  	[hbm4b:s15+s2] =	stream.linear.scatter [tilespmem:s10], [sflag:$0x1], $0x8000, $0x38;
	[tilespmem:$0x10100] =	vst v63  }
0x6b: {  	_ = 	snop  }
0x6c: {  	[hbm4b:s14+s2] =	stream.linear.scatter [tilespmem:s11], [sflag:$0x1], $0x8000, $0x38;
	[tilespmem:$0x10100] =	vst v63  }
0x6d: {  	_ =	swait.ge [sflag:s12], $0x8000  }
0x6e: {  	[sflag:s12] =	ssyncset.done $0x0  }
.Ltmp1:
0x6f: {  	[sflag:s12] =	ssyncadd.s32 $0xFFFF8000;
	(pc) =	sbr.rel @p0 .LBB2_4-.Ltmp1, $4  }
0x70: {  	_ =	swait.ge [sflag:s12], $0x8000  }
0x71: {  	[sflag:s12] =	ssyncset.done $0x0  }
0x72: {  	[sflag:s12] =	ssyncadd.s32 $0xFFFF8000  }
0x73: {  	s17 =	smov.u32 s19;
	s15 =	sadd.s32 $0x1000, s15;
	[tilespmem:v3+s10+$0x0] =	vst.idx.msk vm0, v0  }
0x74: {  	_ =	sdelay $0x4  }
0x75: {  	s16 =	sshra.s32 s16, $0x2;
	[tilespmem:v3+s11+$0x0] =	vst.idx.msk vm0, v0  }
0x76: {  	v3 =	vld [tilespmem:s16+$0x0];
	_ =	sdelay $0x4  }
0x77: {  	vm14 =	vgt.s32 v3, $0x0  }
0x78: {  	v4 =	vnsel vm14, $0x0, v3  }
0x79: {  	v5 =	vshll.u32 v4, $0x3  }
0x7a: {  	v6 =	vshrl.u32 v4, $0x1;
	v7 =	vand.u32 $0x7FFFF800, v4;
	v5 =	vand.u32 $0x400, v5  }
0x7b: {  	v6 =	vand.u32 $0x380, v6;
	v5 =	vor.u32 v5, v7  }
0x7c: {  	v4 =	vand.u32 $0x7F, v4;
	v5 =	vor.u32 v6, v5  }
0x7d: {  	vm15 =	vgt.s32 v3, $0xFFFFFFFF;
	v3 =	vor.u32 v4, v5  }
0x7e: {  	v3 =	vadd.s32 v1, v3  }
0x7f: {  	v63 =	vld [tilespmem:s16+$0x80];
	_ =	sdelay $0x3  }
0x80: {  	[tilespmem:v3+s10+$0x0] =	vst.idx.msk vm15, v2  }
0x81: {  	[tilespmem:v3+s11+$0x0] =	vst.idx.msk vm15, v63  }
0x82: {  	[hbm4b:s15+s2] =	stream.linear.scatter [tilespmem:s10], [sflag:$0x1], $0x8000, $0x38;
	[tilespmem:$0x10100] =	vst v63  }
0x83: {  	s14 =	sadd.s32 $0x1000, s14  }
0x84: {  	[hbm4b:s14+s2] =	stream.linear.scatter [tilespmem:s11], [sflag:$0x1], $0x8000, $0x38;
	[tilespmem:$0x10100] =	vst v63  }
0x85: {  	_ =	swait.ge [sflag:s12], $0x8000  }
0x86: {  	s13 =	sadd.s32 $0x1, s13;
	[sflag:s12] =	ssyncset.done $0x0  }
0x87: {  	p0 =	sne.s32 s13, s5;
	[sflag:s12] =	ssyncadd.s32 $0xFFFF8000  }
.Ltmp2:
0x88: {  	_ =	swait.ge [sflag:s12], $0x8000;
	(pc) =	sbr.rel @p0 .LBB2_1-.Ltmp2, $4  }
0x89: {  	[sflag:s12] =	ssyncset.done $0x0  }
0x8a: {  	[sflag:s12] =	ssyncadd.s32 $0xFFFF8000  }
0x8b: {  	[tilespmem:v3+s10+$0x0] =	vst.idx.msk vm15, v0  }
0x8c: {  	[tilespmem:v3+s11+$0x0] =	vst.idx.msk vm15, v0  }
0x8d: {  	_ =	sfence.sel $0x180000  }
0x8e: {  	[bflag:$0x0] =	sbarrier.arrive $0xFFFF  }
0x8f: {  	p0 =	sne.s32 s1, $0x0;
	_ =	strace $0x90000047  }
0x90: {  	s0 =	sadd.s32 @!p0 $0x100000, s0;
	[bflag:$0x2] =	sbarrier.arrive $0xFFFF  }
0x91: {  	[sflag:s0] =	ssyncadd.tile.s32 @!p0 $0x1;
	_ =	shalt  }
.Lfunc_end2:
_tile_overlayer_lowered:
.L_overlay_start_2:
0x92: {  	(tag) =	ssettag $0x2  }
0x93: {  	s0 =	rddreg [dreg:$0x0];
	s2 =	stileid.u32  }
0x94: {  	s1 =	rddreg [dreg:$0x1];
	p0 =	sne.s32 s2, $0x0  }
0x95: {  	s3 =	rddreg [dreg:$0x2];
	[bflag:$0x3] =	sbarrier.arrive $0xFFFF;
	s2 =	simm.s32 @!p0 $0x1C02  }
0x96: {  	[timem:s3], [sflag:s2] =	dma.local @!p0 [hbm:s0], s1  }
0x97: {  	s0 =	simm.s32 @!p0 $0x2  }
0x98: {  	_ =	swait.ge @!p0 [sflag:s0], s1  }
0x99: {  	s1 =	ssub.s32 @!p0 $0x0, s1;
	[sflag:s0] =	ssyncset.done @!p0 $0x0  }
0x9a: {  	[sflag:s0] =	ssyncadd.s32 @!p0 s1  }
0x9b: {  	[bflag:$0x3] =	sbarrier.arrive $0xFFFF  }
0x9c: {  	_ =	shalt  }

</sc_bundles>
